<compile_context>
chip_gen: v7x
topology: tpu7x:2x2x1
jax: 0.10.2.dev20260603
libtpu: 0.0.44.dev20260713+nightly
codegen_flags: <defaults>
</compile_context>

<pallas_src>
import math

import jax
import jax.numpy as jnp
from jax import lax
from jax.experimental import pallas as pl
from jax.experimental.pallas import tpu as pltpu

D = 1024
H = 16
HD = 64
BS = 256
NB = 16
BATCH = 2
SINK_ITERS = 5
SCALE = HD ** -0.5


def _perm_kernel(x_ref, wq_ref, bq_ref, wk_ref, bk_ref, wv_ref, wo_ref,
                 perm_ref, xbf_ref, wbf_ref, xsum_ref):
    i = pl.program_id(0)
    xsum_ref[pl.ds(i, 1), :] = jnp.mean(x_ref[...], axis=0, keepdims=True)
    xbf_ref[...] = x_ref[...].astype(jnp.bfloat16)

    @pl.when(i == 0)
    def _():
        wbf_ref[0 * D:1 * D, :] = (wq_ref[...] * SCALE).astype(jnp.bfloat16)
        wbf_ref[1 * D:2 * D, :] = wk_ref[...].astype(jnp.bfloat16)
        wbf_ref[2 * D:3 * D, :] = wv_ref[...].astype(jnp.bfloat16)
        wbf_ref[3 * D:4 * D, :] = wo_ref[...].astype(jnp.bfloat16)

    @pl.when(i == NB - 1)
    def _():
        inv_sqrt_d = 1.0 / math.sqrt(D)
        cols = []
        for bb in range(BATCH):
            xm = xsum_ref[:, bb * D:(bb + 1) * D]
            qb = lax.dot_general(xm, wq_ref[...], (((1,), (1,)), ((), ())),
                                 preferred_element_type=jnp.float32) + bq_ref[...]
            kb = lax.dot_general(xm, wk_ref[...], (((1,), (1,)), ((), ())),
                                 preferred_element_type=jnp.float32) + bk_ref[...]
            la = lax.dot_general(qb, kb, (((1,), (1,)), ((), ())),
                                 preferred_element_type=jnp.float32) * inv_sqrt_d
            for _ in range(SINK_ITERS):
                m1 = jnp.max(la, axis=1, keepdims=True)
                la = la - (m1 + jnp.log(jnp.sum(jnp.exp(la - m1), axis=1, keepdims=True)))
                m0 = jnp.max(la, axis=0, keepdims=True)
                la = la - (m0 + jnp.log(jnp.sum(jnp.exp(la - m0), axis=0, keepdims=True)))
            p = jnp.exp(la)
            mx = jnp.max(p, axis=1, keepdims=True)
            iota = lax.broadcasted_iota(jnp.int32, (NB, NB), 1)
            idx = jnp.min(jnp.where(p >= mx, iota, NB), axis=1, keepdims=True)
            cols.append(idx)
        perm_ref[...] = jnp.concatenate(cols, axis=1)


def _attention_block(xb, wbf_ref, bq, bk, bv):
    q = lax.dot_general(xb, wbf_ref[0 * D:1 * D, :], (((1,), (1,)), ((), ())),
                        preferred_element_type=jnp.float32)
    k = lax.dot_general(xb, wbf_ref[1 * D:2 * D, :], (((1,), (1,)), ((), ())),
                        preferred_element_type=jnp.float32)
    v = lax.dot_general(xb, wbf_ref[2 * D:3 * D, :], (((1,), (1,)), ((), ())),
                        preferred_element_type=jnp.float32)
    q = (q + bq).astype(jnp.bfloat16)
    k = (k + bk).astype(jnp.bfloat16)
    v = (v + bv).astype(jnp.bfloat16)
    outs = []
    for h in range(H):
        qh = q[:, h * HD:(h + 1) * HD]
        kh = k[:, h * HD:(h + 1) * HD]
        vh = v[:, h * HD:(h + 1) * HD]
        s = lax.dot_general(qh, kh, (((1,), (1,)), ((), ())),
                            preferred_element_type=jnp.float32)
        m = jnp.max(s, axis=1, keepdims=True)
        e = jnp.exp(s - m)
        rsum = 1.0 / jnp.sum(e, axis=1, keepdims=True)
        acc = lax.dot_general(e.astype(jnp.bfloat16), vh, (((1,), (0,)), ((), ())),
                              preferred_element_type=jnp.float32)
        outs.append((acc * rsum).astype(jnp.bfloat16))
    return jnp.concatenate(outs, axis=1)


def _fused_kernel(p_ref, xa_ref, xc_ref, wbf_ref,
                  bq_ref, bk_ref, bv_ref, bo_ref, out_ref):
    del p_ref
    bq = bq_ref[...] * SCALE
    bk = bk_ref[...]
    bv = bv_ref[...]
    cat_a = _attention_block(xa_ref[...], wbf_ref, bq, bk, bv)
    cat_c = _attention_block(xc_ref[...], wbf_ref, bq, bk, bv)
    cat = jnp.concatenate([cat_a, cat_c], axis=0)
    wo = wbf_ref[3 * D:4 * D, :]
    o = lax.dot_general(cat, wo, (((1,), (1,)), ((), ())),
                        preferred_element_type=jnp.float32) + bo_ref[...]
    out_ref[...] = jnp.stack([o[:BS], o[BS:]], axis=1)


def kernel(x, Wq, bq, Wk, bk, Wv, bv, Wo, bo):
    S, B, Dd = x.shape
    assert (B, Dd) == (BATCH, D) and S == NB * BS

    x2 = x.reshape(S, B * D)
    bq2 = bq.reshape(1, D)
    bk2 = bk.reshape(1, D)
    bv2 = bv.reshape(1, D)
    bo2 = bo.reshape(1, D)

    perm2, xbf, wbf = pl.pallas_call(
        _perm_kernel,
        grid=(NB,),
        in_specs=[
            pl.BlockSpec((BS, B * D), lambda i: (i, 0)),
            pl.BlockSpec((D, D), lambda i: (0, 0)),
            pl.BlockSpec((1, D), lambda i: (0, 0)),
            pl.BlockSpec((D, D), lambda i: (0, 0)),
            pl.BlockSpec((1, D), lambda i: (0, 0)),
            pl.BlockSpec((D, D), lambda i: (0, 0)),
            pl.BlockSpec((D, D), lambda i: (0, 0)),
        ],
        out_specs=[
            pl.BlockSpec((NB, B), lambda i: (0, 0)),
            pl.BlockSpec((BS, B * D), lambda i: (i, 0)),
            pl.BlockSpec((4 * D, D), lambda i: (0, 0)),
        ],
        out_shape=[
            jax.ShapeDtypeStruct((NB, B), jnp.int32),
            jax.ShapeDtypeStruct((S, B * D), jnp.bfloat16),
            jax.ShapeDtypeStruct((4 * D, D), jnp.bfloat16),
        ],
        scratch_shapes=[pltpu.VMEM((NB, B * D), jnp.float32)],
    )(x2, Wq, bq2, Wk, bk2, Wv, Wo)

    grid_spec = pltpu.PrefetchScalarGridSpec(
        num_scalar_prefetch=1,
        grid=(NB,),
        in_specs=[
            pl.BlockSpec((BS, D), lambda t, p: (p[t, 0], 0)),
            pl.BlockSpec((BS, D), lambda t, p: (p[t, 1], 1)),
            pl.BlockSpec((4 * D, D), lambda t, p: (0, 0)),
            pl.BlockSpec((1, D), lambda t, p: (0, 0)),
            pl.BlockSpec((1, D), lambda t, p: (0, 0)),
            pl.BlockSpec((1, D), lambda t, p: (0, 0)),
            pl.BlockSpec((1, D), lambda t, p: (0, 0)),
        ],
        out_specs=pl.BlockSpec((BS, B, D), lambda t, p: (t, 0, 0)),
    )
    out = pl.pallas_call(
        _fused_kernel,
        grid_spec=grid_spec,
        out_shape=jax.ShapeDtypeStruct((S, B, D), jnp.float32),
    )(perm2, xbf, xbf, wbf, bq2, bk2, bv2, bo2)

    return out

# --- scband reference (transcript-rebuilt; emitter-appended) ---
"""Pipeline reference for scband-sinkhorn-self-attention-16157666968221 (READ-ONLY COPY).

The authoritative reference and input builder live on the scoring server;
editing this copy changes nothing except your own understanding.
"""

import math
import jax, jax.numpy as jnp
import numpy as np

EMBED_DIM = 1024
NUM_HEADS = 16
BLOCK_SIZE = 256
SINKHORN_ITERS = 5
S, B = 4096, 2


def setup_inputs(seed: int = 0) -> dict:
    key = jax.random.key(seed)
    ks = jax.random.split(key, 9)
    D = EMBED_DIM
    sc = 1.0 / math.sqrt(D)
    x = jax.random.normal(ks[0], (S, B, D), dtype=jnp.float32)
    Wq = jax.random.normal(ks[1], (D, D), dtype=jnp.float32) * sc
    bq = jax.random.normal(ks[2], (D,), dtype=jnp.float32) * 0.01
    Wk = jax.random.normal(ks[3], (D, D), dtype=jnp.float32) * sc
    bk = jax.random.normal(ks[4], (D,), dtype=jnp.float32) * 0.01
    Wv = jax.random.normal(ks[5], (D, D), dtype=jnp.float32) * sc
    bv = jax.random.normal(ks[6], (D,), dtype=jnp.float32) * 0.01
    Wo = jax.random.normal(ks[7], (D, D), dtype=jnp.float32) * sc
    bo = jax.random.normal(ks[8], (D,), dtype=jnp.float32) * 0.01
    return {"x": x, "Wq": Wq, "bq": bq, "Wk": Wk, "bk": bk, "Wv": Wv, "bv": bv, "Wo": Wo, "bo": bo}


def sinkhorn(log_alpha, n_iters=5):
    for _ in range(n_iters):
        log_alpha = log_alpha - jax.scipy.special.logsumexp(log_alpha, axis=-1, keepdims=True)
        log_alpha = log_alpha - jax.scipy.special.logsumexp(log_alpha, axis=-2, keepdims=True)
    return jnp.exp(log_alpha)


def reference(x, Wq, bq, Wk, bk, Wv, bv, Wo, bo):
    src_len, Bb, D = x.shape
    H = NUM_HEADS
    hd = D // H
    bs = BLOCK_SIZE
    nb = src_len // bs
    scale = hd ** (-0.5)

    # block summaries: (B, nb, D)
    x_blocks = x.reshape(nb, bs, Bb, D).mean(axis=1).transpose(1, 0, 2)

    # no-grad permutation via Sinkhorn (hard argmax; stop_gradient for parity)
    q_blk = jax.lax.stop_gradient(x_blocks @ Wq.T + bq)
    k_blk = jax.lax.stop_gradient(x_blocks @ Wk.T + bk)
    logits = jnp.matmul(q_blk, jnp.swapaxes(k_blk, -2, -1)) / math.sqrt(D)
    P = sinkhorn(logits, SINKHORN_ITERS)
    perm = jnp.argmax(P, axis=-1)  # (B, nb)

    # permute blocks per batch element
    x_blocks_full = x.reshape(nb, bs, Bb, D).transpose(2, 0, 1, 3)  # (B, nb, bs, D)
    x_perm_blocks = jnp.take_along_axis(x_blocks_full, perm[:, :, None, None], axis=1)
    x_perm = x_perm_blocks.transpose(1, 2, 0, 3).reshape(src_len, Bb, D)

    q = x_perm @ Wq.T + bq
    k = x_perm @ Wk.T + bk
    v = x_perm @ Wv.T + bv

    def to_heads(t):
        return t.transpose(1, 0, 2).reshape(Bb, src_len, H, hd).transpose(0, 2, 1, 3)

    q = to_heads(q).reshape(Bb, H, nb, bs, hd)
    k = to_heads(k).reshape(Bb, H, nb, bs, hd)
    v = to_heads(v).reshape(Bb, H, nb, bs, hd)

    scores = jnp.einsum('bhnik,bhnjk->bhnij', q, k) * scale
    attn = jax.nn.softmax(scores, axis=-1)
    out_blk = jnp.einsum('bhnij,bhnjk->bhnik', attn, v)

    out = out_blk.reshape(Bb, H, src_len, hd).transpose(0, 2, 1, 3).reshape(Bb, src_len, D).transpose(1, 0, 2)
    return out @ Wo.T + bo

if __name__ == "__main__":
    import jax
    _d = setup_inputs()
    print(jax.jit(kernel)(*tuple(_d.values())))

</pallas_src>

<mosaic_0001>
module attributes {stable_mosaic.version = 14 : i64} {
  func.func @_fused_kernel(%arg0: i32, %arg1: memref<16x2xi32, #tpu.memory_space<smem>>, %arg2: memref<256x1024xbf16, #tpu.memory_space<vmem>>, %arg3: memref<256x1024xbf16, #tpu.memory_space<vmem>>, %arg4: memref<4096x1024xbf16, #tpu.memory_space<vmem>>, %arg5: memref<1x1024xf32, #tpu.memory_space<vmem>>, %arg6: memref<1x1024xf32, #tpu.memory_space<vmem>>, %arg7: memref<1x1024xf32, #tpu.memory_space<vmem>>, %arg8: memref<1x1024xf32, #tpu.memory_space<vmem>>, %arg9: memref<256x2x1024xf32, #tpu.memory_space<vmem>>) attributes {dimension_semantics = [#tpu.dimension_semantics<arbitrary>], iteration_bounds = array<i64: 16>, scalar_prefetch = 1 : i64, scratch_operands = 0 : i64, tpu.core_type = #tpu.core_type<tc>, window_params = [{transform_indices = @transform_0, window_bounds = array<i64: 256, 1024>}, {transform_indices = @transform_1, window_bounds = array<i64: 256, 1024>}, {pipeline_mode = #tpu.pipeline_mode<synchronous>, transform_indices = @transform_2, window_bounds = array<i64: 4096, 1024>}, {pipeline_mode = #tpu.pipeline_mode<synchronous>, transform_indices = @transform_3, window_bounds = array<i64: 1, 1024>}, {pipeline_mode = #tpu.pipeline_mode<synchronous>, transform_indices = @transform_4, window_bounds = array<i64: 1, 1024>}, {pipeline_mode = #tpu.pipeline_mode<synchronous>, transform_indices = @transform_5, window_bounds = array<i64: 1, 1024>}, {pipeline_mode = #tpu.pipeline_mode<synchronous>, transform_indices = @transform_6, window_bounds = array<i64: 1, 1024>}, {transform_indices = @transform_7, window_bounds = array<i64: 256, 2, 1024>}]} {
    %get3A = arith.constant 0 : index
    %get3A_0 = arith.constant 0 : index
    %get3A_1 = vector.load %arg5[%get3A, %get3A_0] : memref<1x1024xf32, #tpu.memory_space<vmem>>, vector<1x1024xf32>
    %mul3A = arith.constant 1.250000e-01 : f32
    %mul3A_2 = vector.broadcast %mul3A : f32 to vector<1x1024xf32>
    %mul3A_3 = arith.mulf %get3A_1, %mul3A_2 : vector<1x1024xf32>
    %get3A_4 = arith.constant 0 : index
    %get3A_5 = arith.constant 0 : index
    %get3A_6 = vector.load %arg6[%get3A_4, %get3A_5] : memref<1x1024xf32, #tpu.memory_space<vmem>>, vector<1x1024xf32>
    %get3A_7 = arith.constant 0 : index
    %get3A_8 = arith.constant 0 : index
    %get3A_9 = vector.load %arg7[%get3A_7, %get3A_8] : memref<1x1024xf32, #tpu.memory_space<vmem>>, vector<1x1024xf32>
    %get3A_10 = arith.constant 0 : index
    %get3A_11 = arith.constant 0 : index
    %get3A_12 = vector.load %arg2[%get3A_10, %get3A_11] : memref<256x1024xbf16, #tpu.memory_space<vmem>>, vector<256x1024xbf16>
    %get3A_13 = arith.constant 0 : index
    %get3A_14 = arith.constant 0 : index
    %get3A_15 = vector.load %arg4[%get3A_13, %get3A_14] : memref<4096x1024xbf16, #tpu.memory_space<vmem>>, vector<1024x1024xbf16>
    %dot_general3A = arith.constant dense<0.000000e+00> : vector<256x1024xf32>
    %dot_general3A_16 = tpu.matmul %get3A_12, %get3A_15, %dot_general3A {dimension_numbers = #tpu.dot_dimension_numbers<[1], [1], [0], [0], [0, 0, 1, 0], [], []>, transpose_lhs_hint = false} : vector<256x1024xbf16>, vector<1024x1024xbf16>, vector<256x1024xf32> -> vector<256x1024xf32>
    %get3A_17 = arith.constant 1024 : index
    %get3A_18 = arith.constant 0 : index
    %get3A_19 = vector.load %arg4[%get3A_17, %get3A_18] : memref<4096x1024xbf16, #tpu.memory_space<vmem>>, vector<1024x1024xbf16>
    %dot_general3A_20 = arith.constant dense<0.000000e+00> : vector<256x1024xf32>
    %dot_general3A_21 = tpu.matmul %get3A_12, %get3A_19, %dot_general3A_20 {dimension_numbers = #tpu.dot_dimension_numbers<[1], [1], [0], [0], [0, 0, 1, 0], [], []>, transpose_lhs_hint = false} : vector<256x1024xbf16>, vector<1024x1024xbf16>, vector<256x1024xf32> -> vector<256x1024xf32>
    %get3A_22 = arith.constant 2048 : index
    %get3A_23 = arith.constant 0 : index
    %get3A_24 = vector.load %arg4[%get3A_22, %get3A_23] : memref<4096x1024xbf16, #tpu.memory_space<vmem>>, vector<1024x1024xbf16>
    %dot_general3A_25 = arith.constant dense<0.000000e+00> : vector<256x1024xf32>
    %dot_general3A_26 = tpu.matmul %get3A_12, %get3A_24, %dot_general3A_25 {dimension_numbers = #tpu.dot_dimension_numbers<[1], [1], [0], [0], [0, 0, 1, 0], [], []>, transpose_lhs_hint = false} : vector<256x1024xbf16>, vector<1024x1024xbf16>, vector<256x1024xf32> -> vector<256x1024xf32>
    %add3A = vector.broadcast %mul3A_3 : vector<1x1024xf32> to vector<256x1024xf32>
    %add3A_27 = arith.addf %dot_general3A_16, %add3A : vector<256x1024xf32>
    %convert_element_type3A = arith.truncf %add3A_27 : vector<256x1024xf32> to vector<256x1024xbf16>
    %add3A_28 = vector.broadcast %get3A_6 : vector<1x1024xf32> to vector<256x1024xf32>
    %add3A_29 = arith.addf %dot_general3A_21, %add3A_28 : vector<256x1024xf32>
    %convert_element_type3A_30 = arith.truncf %add3A_29 : vector<256x1024xf32> to vector<256x1024xbf16>
    %add3A_31 = vector.broadcast %get3A_9 : vector<1x1024xf32> to vector<256x1024xf32>
    %add3A_32 = arith.addf %dot_general3A_26, %add3A_31 : vector<256x1024xf32>
    %convert_element_type3A_33 = arith.truncf %add3A_32 : vector<256x1024xf32> to vector<256x1024xbf16>
    %slice3A = vector.extract_strided_slice %convert_element_type3A {offsets = [0, 0], sizes = [256, 64], strides = [1, 1]} : vector<256x1024xbf16> to vector<256x64xbf16>
    %slice3A_34 = vector.extract_strided_slice %convert_element_type3A_30 {offsets = [0, 0], sizes = [256, 64], strides = [1, 1]} : vector<256x1024xbf16> to vector<256x64xbf16>
    %slice3A_35 = vector.extract_strided_slice %convert_element_type3A_33 {offsets = [0, 0], sizes = [256, 64], strides = [1, 1]} : vector<256x1024xbf16> to vector<256x64xbf16>
    %dot_general3A_36 = arith.constant dense<0.000000e+00> : vector<256x256xf32>
    %dot_general3A_37 = tpu.matmul %slice3A, %slice3A_34, %dot_general3A_36 {dimension_numbers = #tpu.dot_dimension_numbers<[1], [1], [0], [0], [0, 0, 1, 0], [], []>, transpose_lhs_hint = false} : vector<256x64xbf16>, vector<256x64xbf16>, vector<256x256xf32> -> vector<256x256xf32>
    %reduce_max3A = arith.constant dense<0xFF800000> : vector<256xf32>
    %reduce_max3A_38 = vector.multi_reduction <maximumf>, %dot_general3A_37, %reduce_max3A [1] : vector<256x256xf32> to vector<256xf32>
    %broadcast_in_dim3A = vector.shape_cast %reduce_max3A_38 : vector<256xf32> to vector<256x1xf32>
    %sub3A = vector.broadcast %broadcast_in_dim3A : vector<256x1xf32> to vector<256x256xf32>
    %sub3A_39 = arith.subf %dot_general3A_37, %sub3A : vector<256x256xf32>
    %exp3A = math.exp %sub3A_39 : vector<256x256xf32>
    %reduce_sum3A = arith.constant dense<0.000000e+00> : vector<256xf32>
    %reduce_sum3A_40 = vector.multi_reduction <add>, %exp3A, %reduce_sum3A [1] : vector<256x256xf32> to vector<256xf32>
    %broadcast_in_dim3A_41 = vector.shape_cast %reduce_sum3A_40 : vector<256xf32> to vector<256x1xf32>
    %div3A = arith.constant 1.000000e+00 : f32
    %div3A_42 = vector.broadcast %div3A : f32 to vector<256x1xf32>
    %div3A_43 = arith.divf %div3A_42, %broadcast_in_dim3A_41 : vector<256x1xf32>
    %convert_element_type3A_44 = arith.truncf %exp3A : vector<256x256xf32> to vector<256x256xbf16>
    %dot_general3A_45 = arith.constant dense<0.000000e+00> : vector<256x64xf32>
    %dot_general3A_46 = tpu.matmul %convert_element_type3A_44, %slice3A_35, %dot_general3A_45 {dimension_numbers = #tpu.dot_dimension_numbers<[1], [0], [0], [1], [0, 0, 1, 1], [], []>, transpose_lhs_hint = false} : vector<256x256xbf16>, vector<256x64xbf16>, vector<256x64xf32> -> vector<256x64xf32>
    %mul3A_47 = vector.broadcast %div3A_43 : vector<256x1xf32> to vector<256x64xf32>
    %mul3A_48 = arith.mulf %dot_general3A_46, %mul3A_47 : vector<256x64xf32>
    %convert_element_type3A_49 = arith.truncf %mul3A_48 : vector<256x64xf32> to vector<256x64xbf16>
    %slice3A_50 = vector.extract_strided_slice %convert_element_type3A {offsets = [0, 64], sizes = [256, 64], strides = [1, 1]} : vector<256x1024xbf16> to vector<256x64xbf16>
    %slice3A_51 = vector.extract_strided_slice %convert_element_type3A_30 {offsets = [0, 64], sizes = [256, 64], strides = [1, 1]} : vector<256x1024xbf16> to vector<256x64xbf16>
    %slice3A_52 = vector.extract_strided_slice %convert_element_type3A_33 {offsets = [0, 64], sizes = [256, 64], strides = [1, 1]} : vector<256x1024xbf16> to vector<256x64xbf16>
    %dot_general3A_53 = arith.constant dense<0.000000e+00> : vector<256x256xf32>
    %dot_general3A_54 = tpu.matmul %slice3A_50, %slice3A_51, %dot_general3A_53 {dimension_numbers = #tpu.dot_dimension_numbers<[1], [1], [0], [0], [0, 0, 1, 0], [], []>, transpose_lhs_hint = false} : vector<256x64xbf16>, vector<256x64xbf16>, vector<256x256xf32> -> vector<256x256xf32>
    %reduce_max3A_55 = arith.constant dense<0xFF800000> : vector<256xf32>
    %reduce_max3A_56 = vector.multi_reduction <maximumf>, %dot_general3A_54, %reduce_max3A_55 [1] : vector<256x256xf32> to vector<256xf32>
    %broadcast_in_dim3A_57 = vector.shape_cast %reduce_max3A_56 : vector<256xf32> to vector<256x1xf32>
    %sub3A_58 = vector.broadcast %broadcast_in_dim3A_57 : vector<256x1xf32> to vector<256x256xf32>
    %sub3A_59 = arith.subf %dot_general3A_54, %sub3A_58 : vector<256x256xf32>
    %exp3A_60 = math.exp %sub3A_59 : vector<256x256xf32>
    %reduce_sum3A_61 = arith.constant dense<0.000000e+00> : vector<256xf32>
    %reduce_sum3A_62 = vector.multi_reduction <add>, %exp3A_60, %reduce_sum3A_61 [1] : vector<256x256xf32> to vector<256xf32>
    %broadcast_in_dim3A_63 = vector.shape_cast %reduce_sum3A_62 : vector<256xf32> to vector<256x1xf32>
    %div3A_64 = arith.constant 1.000000e+00 : f32
    %div3A_65 = vector.broadcast %div3A_64 : f32 to vector<256x1xf32>
    %div3A_66 = arith.divf %div3A_65, %broadcast_in_dim3A_63 : vector<256x1xf32>
    %convert_element_type3A_67 = arith.truncf %exp3A_60 : vector<256x256xf32> to vector<256x256xbf16>
    %dot_general3A_68 = arith.constant dense<0.000000e+00> : vector<256x64xf32>
    %dot_general3A_69 = tpu.matmul %convert_element_type3A_67, %slice3A_52, %dot_general3A_68 {dimension_numbers = #tpu.dot_dimension_numbers<[1], [0], [0], [1], [0, 0, 1, 1], [], []>, transpose_lhs_hint = false} : vector<256x256xbf16>, vector<256x64xbf16>, vector<256x64xf32> -> vector<256x64xf32>
    %mul3A_70 = vector.broadcast %div3A_66 : vector<256x1xf32> to vector<256x64xf32>
    %mul3A_71 = arith.mulf %dot_general3A_69, %mul3A_70 : vector<256x64xf32>
    %convert_element_type3A_72 = arith.truncf %mul3A_71 : vector<256x64xf32> to vector<256x64xbf16>
    %slice3A_73 = vector.extract_strided_slice %convert_element_type3A {offsets = [0, 128], sizes = [256, 64], strides = [1, 1]} : vector<256x1024xbf16> to vector<256x64xbf16>
    %slice3A_74 = vector.extract_strided_slice %convert_element_type3A_30 {offsets = [0, 128], sizes = [256, 64], strides = [1, 1]} : vector<256x1024xbf16> to vector<256x64xbf16>
    %slice3A_75 = vector.extract_strided_slice %convert_element_type3A_33 {offsets = [0, 128], sizes = [256, 64], strides = [1, 1]} : vector<256x1024xbf16> to vector<256x64xbf16>
    %dot_general3A_76 = arith.constant dense<0.000000e+00> : vector<256x256xf32>
    %dot_general3A_77 = tpu.matmul %slice3A_73, %slice3A_74, %dot_general3A_76 {dimension_numbers = #tpu.dot_dimension_numbers<[1], [1], [0], [0], [0, 0, 1, 0], [], []>, transpose_lhs_hint = false} : vector<256x64xbf16>, vector<256x64xbf16>, vector<256x256xf32> -> vector<256x256xf32>
    %reduce_max3A_78 = arith.constant dense<0xFF800000> : vector<256xf32>
    %reduce_max3A_79 = vector.multi_reduction <maximumf>, %dot_general3A_77, %reduce_max3A_78 [1] : vector<256x256xf32> to vector<256xf32>
    %broadcast_in_dim3A_80 = vector.shape_cast %reduce_max3A_79 : vector<256xf32> to vector<256x1xf32>
    %sub3A_81 = vector.broadcast %broadcast_in_dim3A_80 : vector<256x1xf32> to vector<256x256xf32>
    %sub3A_82 = arith.subf %dot_general3A_77, %sub3A_81 : vector<256x256xf32>
    %exp3A_83 = math.exp %sub3A_82 : vector<256x256xf32>
    %reduce_sum3A_84 = arith.constant dense<0.000000e+00> : vector<256xf32>
    %reduce_sum3A_85 = vector.multi_reduction <add>, %exp3A_83, %reduce_sum3A_84 [1] : vector<256x256xf32> to vector<256xf32>
    %broadcast_in_dim3A_86 = vector.shape_cast %reduce_sum3A_85 : vector<256xf32> to vector<256x1xf32>
    %div3A_87 = arith.constant 1.000000e+00 : f32
    %div3A_88 = vector.broadcast %div3A_87 : f32 to vector<256x1xf32>
    %div3A_89 = arith.divf %div3A_88, %broadcast_in_dim3A_86 : vector<256x1xf32>
    %convert_element_type3A_90 = arith.truncf %exp3A_83 : vector<256x256xf32> to vector<256x256xbf16>
    %dot_general3A_91 = arith.constant dense<0.000000e+00> : vector<256x64xf32>
    %dot_general3A_92 = tpu.matmul %convert_element_type3A_90, %slice3A_75, %dot_general3A_91 {dimension_numbers = #tpu.dot_dimension_numbers<[1], [0], [0], [1], [0, 0, 1, 1], [], []>, transpose_lhs_hint = false} : vector<256x256xbf16>, vector<256x64xbf16>, vector<256x64xf32> -> vector<256x64xf32>
    %mul3A_93 = vector.broadcast %div3A_89 : vector<256x1xf32> to vector<256x64xf32>
    %mul3A_94 = arith.mulf %dot_general3A_92, %mul3A_93 : vector<256x64xf32>
    %convert_element_type3A_95 = arith.truncf %mul3A_94 : vector<256x64xf32> to vector<256x64xbf16>
    %slice3A_96 = vector.extract_strided_slice %convert_element_type3A {offsets = [0, 192], sizes = [256, 64], strides = [1, 1]} : vector<256x1024xbf16> to vector<256x64xbf16>
    %slice3A_97 = vector.extract_strided_slice %convert_element_type3A_30 {offsets = [0, 192], sizes = [256, 64], strides = [1, 1]} : vector<256x1024xbf16> to vector<256x64xbf16>
    %slice3A_98 = vector.extract_strided_slice %convert_element_type3A_33 {offsets = [0, 192], sizes = [256, 64], strides = [1, 1]} : vector<256x1024xbf16> to vector<256x64xbf16>
    %dot_general3A_99 = arith.constant dense<0.000000e+00> : vector<256x256xf32>
    %dot_general3A_100 = tpu.matmul %slice3A_96, %slice3A_97, %dot_general3A_99 {dimension_numbers = #tpu.dot_dimension_numbers<[1], [1], [0], [0], [0, 0, 1, 0], [], []>, transpose_lhs_hint = false} : vector<256x64xbf16>, vector<256x64xbf16>, vector<256x256xf32> -> vector<256x256xf32>
    %reduce_max3A_101 = arith.constant dense<0xFF800000> : vector<256xf32>
    %reduce_max3A_102 = vector.multi_reduction <maximumf>, %dot_general3A_100, %reduce_max3A_101 [1] : vector<256x256xf32> to vector<256xf32>
    %broadcast_in_dim3A_103 = vector.shape_cast %reduce_max3A_102 : vector<256xf32> to vector<256x1xf32>
    %sub3A_104 = vector.broadcast %broadcast_in_dim3A_103 : vector<256x1xf32> to vector<256x256xf32>
    %sub3A_105 = arith.subf %dot_general3A_100, %sub3A_104 : vector<256x256xf32>
    %exp3A_106 = math.exp %sub3A_105 : vector<256x256xf32>
    %reduce_sum3A_107 = arith.constant dense<0.000000e+00> : vector<256xf32>
    %reduce_sum3A_108 = vector.multi_reduction <add>, %exp3A_106, %reduce_sum3A_107 [1] : vector<256x256xf32> to vector<256xf32>
    %broadcast_in_dim3A_109 = vector.shape_cast %reduce_sum3A_108 : vector<256xf32> to vector<256x1xf32>
    %div3A_110 = arith.constant 1.000000e+00 : f32
    %div3A_111 = vector.broadcast %div3A_110 : f32 to vector<256x1xf32>
    %div3A_112 = arith.divf %div3A_111, %broadcast_in_dim3A_109 : vector<256x1xf32>
    %convert_element_type3A_113 = arith.truncf %exp3A_106 : vector<256x256xf32> to vector<256x256xbf16>
    %dot_general3A_114 = arith.constant dense<0.000000e+00> : vector<256x64xf32>
    %dot_general3A_115 = tpu.matmul %convert_element_type3A_113, %slice3A_98, %dot_general3A_114 {dimension_numbers = #tpu.dot_dimension_numbers<[1], [0], [0], [1], [0, 0, 1, 1], [], []>, transpose_lhs_hint = false} : vector<256x256xbf16>, vector<256x64xbf16>, vector<256x64xf32> -> vector<256x64xf32>
    %mul3A_116 = vector.broadcast %div3A_112 : vector<256x1xf32> to vector<256x64xf32>
    %mul3A_117 = arith.mulf %dot_general3A_115, %mul3A_116 : vector<256x64xf32>
    %convert_element_type3A_118 = arith.truncf %mul3A_117 : vector<256x64xf32> to vector<256x64xbf16>
    %slice3A_119 = vector.extract_strided_slice %convert_element_type3A {offsets = [0, 256], sizes = [256, 64], strides = [1, 1]} : vector<256x1024xbf16> to vector<256x64xbf16>
    %slice3A_120 = vector.extract_strided_slice %convert_element_type3A_30 {offsets = [0, 256], sizes = [256, 64], strides = [1, 1]} : vector<256x1024xbf16> to vector<256x64xbf16>
    %slice3A_121 = vector.extract_strided_slice %convert_element_type3A_33 {offsets = [0, 256], sizes = [256, 64], strides = [1, 1]} : vector<256x1024xbf16> to vector<256x64xbf16>
    %dot_general3A_122 = arith.constant dense<0.000000e+00> : vector<256x256xf32>
    %dot_general3A_123 = tpu.matmul %slice3A_119, %slice3A_120, %dot_general3A_122 {dimension_numbers = #tpu.dot_dimension_numbers<[1], [1], [0], [0], [0, 0, 1, 0], [], []>, transpose_lhs_hint = false} : vector<256x64xbf16>, vector<256x64xbf16>, vector<256x256xf32> -> vector<256x256xf32>
    %reduce_max3A_124 = arith.constant dense<0xFF800000> : vector<256xf32>
    %reduce_max3A_125 = vector.multi_reduction <maximumf>, %dot_general3A_123, %reduce_max3A_124 [1] : vector<256x256xf32> to vector<256xf32>
    %broadcast_in_dim3A_126 = vector.shape_cast %reduce_max3A_125 : vector<256xf32> to vector<256x1xf32>
    %sub3A_127 = vector.broadcast %broadcast_in_dim3A_126 : vector<256x1xf32> to vector<256x256xf32>
    %sub3A_128 = arith.subf %dot_general3A_123, %sub3A_127 : vector<256x256xf32>
    %exp3A_129 = math.exp %sub3A_128 : vector<256x256xf32>
    %reduce_sum3A_130 = arith.constant dense<0.000000e+00> : vector<256xf32>
    %reduce_sum3A_131 = vector.multi_reduction <add>, %exp3A_129, %reduce_sum3A_130 [1] : vector<256x256xf32> to vector<256xf32>
    %broadcast_in_dim3A_132 = vector.shape_cast %reduce_sum3A_131 : vector<256xf32> to vector<256x1xf32>
    %div3A_133 = arith.constant 1.000000e+00 : f32
    %div3A_134 = vector.broadcast %div3A_133 : f32 to vector<256x1xf32>
    %div3A_135 = arith.divf %div3A_134, %broadcast_in_dim3A_132 : vector<256x1xf32>
    %convert_element_type3A_136 = arith.truncf %exp3A_129 : vector<256x256xf32> to vector<256x256xbf16>
    %dot_general3A_137 = arith.constant dense<0.000000e+00> : vector<256x64xf32>
    %dot_general3A_138 = tpu.matmul %convert_element_type3A_136, %slice3A_121, %dot_general3A_137 {dimension_numbers = #tpu.dot_dimension_numbers<[1], [0], [0], [1], [0, 0, 1, 1], [], []>, transpose_lhs_hint = false} : vector<256x256xbf16>, vector<256x64xbf16>, vector<256x64xf32> -> vector<256x64xf32>
    %mul3A_139 = vector.broadcast %div3A_135 : vector<256x1xf32> to vector<256x64xf32>
    %mul3A_140 = arith.mulf %dot_general3A_138, %mul3A_139 : vector<256x64xf32>
    %convert_element_type3A_141 = arith.truncf %mul3A_140 : vector<256x64xf32> to vector<256x64xbf16>
    %slice3A_142 = vector.extract_strided_slice %convert_element_type3A {offsets = [0, 320], sizes = [256, 64], strides = [1, 1]} : vector<256x1024xbf16> to vector<256x64xbf16>
    %slice3A_143 = vector.extract_strided_slice %convert_element_type3A_30 {offsets = [0, 320], sizes = [256, 64], strides = [1, 1]} : vector<256x1024xbf16> to vector<256x64xbf16>
    %slice3A_144 = vector.extract_strided_slice %convert_element_type3A_33 {offsets = [0, 320], sizes = [256, 64], strides = [1, 1]} : vector<256x1024xbf16> to vector<256x64xbf16>
    %dot_general3A_145 = arith.constant dense<0.000000e+00> : vector<256x256xf32>
    %dot_general3A_146 = tpu.matmul %slice3A_142, %slice3A_143, %dot_general3A_145 {dimension_numbers = #tpu.dot_dimension_numbers<[1], [1], [0], [0], [0, 0, 1, 0], [], []>, transpose_lhs_hint = false} : vector<256x64xbf16>, vector<256x64xbf16>, vector<256x256xf32> -> vector<256x256xf32>
    %reduce_max3A_147 = arith.constant dense<0xFF800000> : vector<256xf32>
    %reduce_max3A_148 = vector.multi_reduction <maximumf>, %dot_general3A_146, %reduce_max3A_147 [1] : vector<256x256xf32> to vector<256xf32>
    %broadcast_in_dim3A_149 = vector.shape_cast %reduce_max3A_148 : vector<256xf32> to vector<256x1xf32>
    %sub3A_150 = vector.broadcast %broadcast_in_dim3A_149 : vector<256x1xf32> to vector<256x256xf32>
    %sub3A_151 = arith.subf %dot_general3A_146, %sub3A_150 : vector<256x256xf32>
    %exp3A_152 = math.exp %sub3A_151 : vector<256x256xf32>
    %reduce_sum3A_153 = arith.constant dense<0.000000e+00> : vector<256xf32>
    %reduce_sum3A_154 = vector.multi_reduction <add>, %exp3A_152, %reduce_sum3A_153 [1] : vector<256x256xf32> to vector<256xf32>
    %broadcast_in_dim3A_155 = vector.shape_cast %reduce_sum3A_154 : vector<256xf32> to vector<256x1xf32>
    %div3A_156 = arith.constant 1.000000e+00 : f32
    %div3A_157 = vector.broadcast %div3A_156 : f32 to vector<256x1xf32>
    %div3A_158 = arith.divf %div3A_157, %broadcast_in_dim3A_155 : vector<256x1xf32>
    %convert_element_type3A_159 = arith.truncf %exp3A_152 : vector<256x256xf32> to vector<256x256xbf16>
    %dot_general3A_160 = arith.constant dense<0.000000e+00> : vector<256x64xf32>
    %dot_general3A_161 = tpu.matmul %convert_element_type3A_159, %slice3A_144, %dot_general3A_160 {dimension_numbers = #tpu.dot_dimension_numbers<[1], [0], [0], [1], [0, 0, 1, 1], [], []>, transpose_lhs_hint = false} : vector<256x256xbf16>, vector<256x64xbf16>, vector<256x64xf32> -> vector<256x64xf32>
    %mul3A_162 = vector.broadcast %div3A_158 : vector<256x1xf32> to vector<256x64xf32>
    %mul3A_163 = arith.mulf %dot_general3A_161, %mul3A_162 : vector<256x64xf32>
    %convert_element_type3A_164 = arith.truncf %mul3A_163 : vector<256x64xf32> to vector<256x64xbf16>
    %slice3A_165 = vector.extract_strided_slice %convert_element_type3A {offsets = [0, 384], sizes = [256, 64], strides = [1, 1]} : vector<256x1024xbf16> to vector<256x64xbf16>
    %slice3A_166 = vector.extract_strided_slice %convert_element_type3A_30 {offsets = [0, 384], sizes = [256, 64], strides = [1, 1]} : vector<256x1024xbf16> to vector<256x64xbf16>
    %slice3A_167 = vector.extract_strided_slice %convert_element_type3A_33 {offsets = [0, 384], sizes = [256, 64], strides = [1, 1]} : vector<256x1024xbf16> to vector<256x64xbf16>
    %dot_general3A_168 = arith.constant dense<0.000000e+00> : vector<256x256xf32>
    %dot_general3A_169 = tpu.matmul %slice3A_165, %slice3A_166, %dot_general3A_168 {dimension_numbers = #tpu.dot_dimension_numbers<[1], [1], [0], [0], [0, 0, 1, 0], [], []>, transpose_lhs_hint = false} : vector<256x64xbf16>, vector<256x64xbf16>, vector<256x256xf32> -> vector<256x256xf32>
    %reduce_max3A_170 = arith.constant dense<0xFF800000> : vector<256xf32>
    %reduce_max3A_171 = vector.multi_reduction <maximumf>, %dot_general3A_169, %reduce_max3A_170 [1] : vector<256x256xf32> to vector<256xf32>
    %broadcast_in_dim3A_172 = vector.shape_cast %reduce_max3A_171 : vector<256xf32> to vector<256x1xf32>
    %sub3A_173 = vector.broadcast %broadcast_in_dim3A_172 : vector<256x1xf32> to vector<256x256xf32>
    %sub3A_174 = arith.subf %dot_general3A_169, %sub3A_173 : vector<256x256xf32>
    %exp3A_175 = math.exp %sub3A_174 : vector<256x256xf32>
    %reduce_sum3A_176 = arith.constant dense<0.000000e+00> : vector<256xf32>
    %reduce_sum3A_177 = vector.multi_reduction <add>, %exp3A_175, %reduce_sum3A_176 [1] : vector<256x256xf32> to vector<256xf32>
    %broadcast_in_dim3A_178 = vector.shape_cast %reduce_sum3A_177 : vector<256xf32> to vector<256x1xf32>
    %div3A_179 = arith.constant 1.000000e+00 : f32
    %div3A_180 = vector.broadcast %div3A_179 : f32 to vector<256x1xf32>
    %div3A_181 = arith.divf %div3A_180, %broadcast_in_dim3A_178 : vector<256x1xf32>
    %convert_element_type3A_182 = arith.truncf %exp3A_175 : vector<256x256xf32> to vector<256x256xbf16>
    %dot_general3A_183 = arith.constant dense<0.000000e+00> : vector<256x64xf32>
    %dot_general3A_184 = tpu.matmul %convert_element_type3A_182, %slice3A_167, %dot_general3A_183 {dimension_numbers = #tpu.dot_dimension_numbers<[1], [0], [0], [1], [0, 0, 1, 1], [], []>, transpose_lhs_hint = false} : vector<256x256xbf16>, vector<256x64xbf16>, vector<256x64xf32> -> vector<256x64xf32>
    %mul3A_185 = vector.broadcast %div3A_181 : vector<256x1xf32> to vector<256x64xf32>
    %mul3A_186 = arith.mulf %dot_general3A_184, %mul3A_185 : vector<256x64xf32>
    %convert_element_type3A_187 = arith.truncf %mul3A_186 : vector<256x64xf32> to vector<256x64xbf16>
    %slice3A_188 = vector.extract_strided_slice %convert_element_type3A {offsets = [0, 448], sizes = [256, 64], strides = [1, 1]} : vector<256x1024xbf16> to vector<256x64xbf16>
    %slice3A_189 = vector.extract_strided_slice %convert_element_type3A_30 {offsets = [0, 448], sizes = [256, 64], strides = [1, 1]} : vector<256x1024xbf16> to vector<256x64xbf16>
    %slice3A_190 = vector.extract_strided_slice %convert_element_type3A_33 {offsets = [0, 448], sizes = [256, 64], strides = [1, 1]} : vector<256x1024xbf16> to vector<256x64xbf16>
    %dot_general3A_191 = arith.constant dense<0.000000e+00> : vector<256x256xf32>
    %dot_general3A_192 = tpu.matmul %slice3A_188, %slice3A_189, %dot_general3A_191 {dimension_numbers = #tpu.dot_dimension_numbers<[1], [1], [0], [0], [0, 0, 1, 0], [], []>, transpose_lhs_hint = false} : vector<256x64xbf16>, vector<256x64xbf16>, vector<256x256xf32> -> vector<256x256xf32>
    %reduce_max3A_193 = arith.constant dense<0xFF800000> : vector<256xf32>
    %reduce_max3A_194 = vector.multi_reduction <maximumf>, %dot_general3A_192, %reduce_max3A_193 [1] : vector<256x256xf32> to vector<256xf32>
    %broadcast_in_dim3A_195 = vector.shape_cast %reduce_max3A_194 : vector<256xf32> to vector<256x1xf32>
    %sub3A_196 = vector.broadcast %broadcast_in_dim3A_195 : vector<256x1xf32> to vector<256x256xf32>
    %sub3A_197 = arith.subf %dot_general3A_192, %sub3A_196 : vector<256x256xf32>
    %exp3A_198 = math.exp %sub3A_197 : vector<256x256xf32>
    %reduce_sum3A_199 = arith.constant dense<0.000000e+00> : vector<256xf32>
    %reduce_sum3A_200 = vector.multi_reduction <add>, %exp3A_198, %reduce_sum3A_199 [1] : vector<256x256xf32> to vector<256xf32>
    %broadcast_in_dim3A_201 = vector.shape_cast %reduce_sum3A_200 : vector<256xf32> to vector<256x1xf32>
    %div3A_202 = arith.constant 1.000000e+00 : f32
    %div3A_203 = vector.broadcast %div3A_202 : f32 to vector<256x1xf32>
    %div3A_204 = arith.divf %div3A_203, %broadcast_in_dim3A_201 : vector<256x1xf32>
    %convert_element_type3A_205 = arith.truncf %exp3A_198 : vector<256x256xf32> to vector<256x256xbf16>
    %dot_general3A_206 = arith.constant dense<0.000000e+00> : vector<256x64xf32>
    %dot_general3A_207 = tpu.matmul %convert_element_type3A_205, %slice3A_190, %dot_general3A_206 {dimension_numbers = #tpu.dot_dimension_numbers<[1], [0], [0], [1], [0, 0, 1, 1], [], []>, transpose_lhs_hint = false} : vector<256x256xbf16>, vector<256x64xbf16>, vector<256x64xf32> -> vector<256x64xf32>
    %mul3A_208 = vector.broadcast %div3A_204 : vector<256x1xf32> to vector<256x64xf32>
    %mul3A_209 = arith.mulf %dot_general3A_207, %mul3A_208 : vector<256x64xf32>
    %convert_element_type3A_210 = arith.truncf %mul3A_209 : vector<256x64xf32> to vector<256x64xbf16>
    %slice3A_211 = vector.extract_strided_slice %convert_element_type3A {offsets = [0, 512], sizes = [256, 64], strides = [1, 1]} : vector<256x1024xbf16> to vector<256x64xbf16>
    %slice3A_212 = vector.extract_strided_slice %convert_element_type3A_30 {offsets = [0, 512], sizes = [256, 64], strides = [1, 1]} : vector<256x1024xbf16> to vector<256x64xbf16>
    %slice3A_213 = vector.extract_strided_slice %convert_element_type3A_33 {offsets = [0, 512], sizes = [256, 64], strides = [1, 1]} : vector<256x1024xbf16> to vector<256x64xbf16>
    %dot_general3A_214 = arith.constant dense<0.000000e+00> : vector<256x256xf32>
    %dot_general3A_215 = tpu.matmul %slice3A_211, %slice3A_212, %dot_general3A_214 {dimension_numbers = #tpu.dot_dimension_numbers<[1], [1], [0], [0], [0, 0, 1, 0], [], []>, transpose_lhs_hint = false} : vector<256x64xbf16>, vector<256x64xbf16>, vector<256x256xf32> -> vector<256x256xf32>
    %reduce_max3A_216 = arith.constant dense<0xFF800000> : vector<256xf32>
    %reduce_max3A_217 = vector.multi_reduction <maximumf>, %dot_general3A_215, %reduce_max3A_216 [1] : vector<256x256xf32> to vector<256xf32>
    %broadcast_in_dim3A_218 = vector.shape_cast %reduce_max3A_217 : vector<256xf32> to vector<256x1xf32>
    %sub3A_219 = vector.broadcast %broadcast_in_dim3A_218 : vector<256x1xf32> to vector<256x256xf32>
    %sub3A_220 = arith.subf %dot_general3A_215, %sub3A_219 : vector<256x256xf32>
    %exp3A_221 = math.exp %sub3A_220 : vector<256x256xf32>
    %reduce_sum3A_222 = arith.constant dense<0.000000e+00> : vector<256xf32>
    %reduce_sum3A_223 = vector.multi_reduction <add>, %exp3A_221, %reduce_sum3A_222 [1] : vector<256x256xf32> to vector<256xf32>
    %broadcast_in_dim3A_224 = vector.shape_cast %reduce_sum3A_223 : vector<256xf32> to vector<256x1xf32>
    %div3A_225 = arith.constant 1.000000e+00 : f32
    %div3A_226 = vector.broadcast %div3A_225 : f32 to vector<256x1xf32>
    %div3A_227 = arith.divf %div3A_226, %broadcast_in_dim3A_224 : vector<256x1xf32>
    %convert_element_type3A_228 = arith.truncf %exp3A_221 : vector<256x256xf32> to vector<256x256xbf16>
    %dot_general3A_229 = arith.constant dense<0.000000e+00> : vector<256x64xf32>
    %dot_general3A_230 = tpu.matmul %convert_element_type3A_228, %slice3A_213, %dot_general3A_229 {dimension_numbers = #tpu.dot_dimension_numbers<[1], [0], [0], [1], [0, 0, 1, 1], [], []>, transpose_lhs_hint = false} : vector<256x256xbf16>, vector<256x64xbf16>, vector<256x64xf32> -> vector<256x64xf32>
    %mul3A_231 = vector.broadcast %div3A_227 : vector<256x1xf32> to vector<256x64xf32>
    %mul3A_232 = arith.mulf %dot_general3A_230, %mul3A_231 : vector<256x64xf32>
    %convert_element_type3A_233 = arith.truncf %mul3A_232 : vector<256x64xf32> to vector<256x64xbf16>
    %slice3A_234 = vector.extract_strided_slice %convert_element_type3A {offsets = [0, 576], sizes = [256, 64], strides = [1, 1]} : vector<256x1024xbf16> to vector<256x64xbf16>
    %slice3A_235 = vector.extract_strided_slice %convert_element_type3A_30 {offsets = [0, 576], sizes = [256, 64], strides = [1, 1]} : vector<256x1024xbf16> to vector<256x64xbf16>
    %slice3A_236 = vector.extract_strided_slice %convert_element_type3A_33 {offsets = [0, 576], sizes = [256, 64], strides = [1, 1]} : vector<256x1024xbf16> to vector<256x64xbf16>
    %dot_general3A_237 = arith.constant dense<0.000000e+00> : vector<256x256xf32>
    %dot_general3A_238 = tpu.matmul %slice3A_234, %slice3A_235, %dot_general3A_237 {dimension_numbers = #tpu.dot_dimension_numbers<[1], [1], [0], [0], [0, 0, 1, 0], [], []>, transpose_lhs_hint = false} : vector<256x64xbf16>, vector<256x64xbf16>, vector<256x256xf32> -> vector<256x256xf32>
    %reduce_max3A_239 = arith.constant dense<0xFF800000> : vector<256xf32>
    %reduce_max3A_240 = vector.multi_reduction <maximumf>, %dot_general3A_238, %reduce_max3A_239 [1] : vector<256x256xf32> to vector<256xf32>
    %broadcast_in_dim3A_241 = vector.shape_cast %reduce_max3A_240 : vector<256xf32> to vector<256x1xf32>
    %sub3A_242 = vector.broadcast %broadcast_in_dim3A_241 : vector<256x1xf32> to vector<256x256xf32>
    %sub3A_243 = arith.subf %dot_general3A_238, %sub3A_242 : vector<256x256xf32>
    %exp3A_244 = math.exp %sub3A_243 : vector<256x256xf32>
    %reduce_sum3A_245 = arith.constant dense<0.000000e+00> : vector<256xf32>
    %reduce_sum3A_246 = vector.multi_reduction <add>, %exp3A_244, %reduce_sum3A_245 [1] : vector<256x256xf32> to vector<256xf32>
    %broadcast_in_dim3A_247 = vector.shape_cast %reduce_sum3A_246 : vector<256xf32> to vector<256x1xf32>
    %div3A_248 = arith.constant 1.000000e+00 : f32
    %div3A_249 = vector.broadcast %div3A_248 : f32 to vector<256x1xf32>
    %div3A_250 = arith.divf %div3A_249, %broadcast_in_dim3A_247 : vector<256x1xf32>
    %convert_element_type3A_251 = arith.truncf %exp3A_244 : vector<256x256xf32> to vector<256x256xbf16>
    %dot_general3A_252 = arith.constant dense<0.000000e+00> : vector<256x64xf32>
    %dot_general3A_253 = tpu.matmul %convert_element_type3A_251, %slice3A_236, %dot_general3A_252 {dimension_numbers = #tpu.dot_dimension_numbers<[1], [0], [0], [1], [0, 0, 1, 1], [], []>, transpose_lhs_hint = false} : vector<256x256xbf16>, vector<256x64xbf16>, vector<256x64xf32> -> vector<256x64xf32>
    %mul3A_254 = vector.broadcast %div3A_250 : vector<256x1xf32> to vector<256x64xf32>
    %mul3A_255 = arith.mulf %dot_general3A_253, %mul3A_254 : vector<256x64xf32>
    %convert_element_type3A_256 = arith.truncf %mul3A_255 : vector<256x64xf32> to vector<256x64xbf16>
    %slice3A_257 = vector.extract_strided_slice %convert_element_type3A {offsets = [0, 640], sizes = [256, 64], strides = [1, 1]} : vector<256x1024xbf16> to vector<256x64xbf16>
    %slice3A_258 = vector.extract_strided_slice %convert_element_type3A_30 {offsets = [0, 640], sizes = [256, 64], strides = [1, 1]} : vector<256x1024xbf16> to vector<256x64xbf16>
    %slice3A_259 = vector.extract_strided_slice %convert_element_type3A_33 {offsets = [0, 640], sizes = [256, 64], strides = [1, 1]} : vector<256x1024xbf16> to vector<256x64xbf16>
    %dot_general3A_260 = arith.constant dense<0.000000e+00> : vector<256x256xf32>
    %dot_general3A_261 = tpu.matmul %slice3A_257, %slice3A_258, %dot_general3A_260 {dimension_numbers = #tpu.dot_dimension_numbers<[1], [1], [0], [0], [0, 0, 1, 0], [], []>, transpose_lhs_hint = false} : vector<256x64xbf16>, vector<256x64xbf16>, vector<256x256xf32> -> vector<256x256xf32>
    %reduce_max3A_262 = arith.constant dense<0xFF800000> : vector<256xf32>
    %reduce_max3A_263 = vector.multi_reduction <maximumf>, %dot_general3A_261, %reduce_max3A_262 [1] : vector<256x256xf32> to vector<256xf32>
    %broadcast_in_dim3A_264 = vector.shape_cast %reduce_max3A_263 : vector<256xf32> to vector<256x1xf32>
    %sub3A_265 = vector.broadcast %broadcast_in_dim3A_264 : vector<256x1xf32> to vector<256x256xf32>
    %sub3A_266 = arith.subf %dot_general3A_261, %sub3A_265 : vector<256x256xf32>
    %exp3A_267 = math.exp %sub3A_266 : vector<256x256xf32>
    %reduce_sum3A_268 = arith.constant dense<0.000000e+00> : vector<256xf32>
    %reduce_sum3A_269 = vector.multi_reduction <add>, %exp3A_267, %reduce_sum3A_268 [1] : vector<256x256xf32> to vector<256xf32>
    %broadcast_in_dim3A_270 = vector.shape_cast %reduce_sum3A_269 : vector<256xf32> to vector<256x1xf32>
    %div3A_271 = arith.constant 1.000000e+00 : f32
    %div3A_272 = vector.broadcast %div3A_271 : f32 to vector<256x1xf32>
    %div3A_273 = arith.divf %div3A_272, %broadcast_in_dim3A_270 : vector<256x1xf32>
    %convert_element_type3A_274 = arith.truncf %exp3A_267 : vector<256x256xf32> to vector<256x256xbf16>
    %dot_general3A_275 = arith.constant dense<0.000000e+00> : vector<256x64xf32>
    %dot_general3A_276 = tpu.matmul %convert_element_type3A_274, %slice3A_259, %dot_general3A_275 {dimension_numbers = #tpu.dot_dimension_numbers<[1], [0], [0], [1], [0, 0, 1, 1], [], []>, transpose_lhs_hint = false} : vector<256x256xbf16>, vector<256x64xbf16>, vector<256x64xf32> -> vector<256x64xf32>
    %mul3A_277 = vector.broadcast %div3A_273 : vector<256x1xf32> to vector<256x64xf32>
    %mul3A_278 = arith.mulf %dot_general3A_276, %mul3A_277 : vector<256x64xf32>
    %convert_element_type3A_279 = arith.truncf %mul3A_278 : vector<256x64xf32> to vector<256x64xbf16>
    %slice3A_280 = vector.extract_strided_slice %convert_element_type3A {offsets = [0, 704], sizes = [256, 64], strides = [1, 1]} : vector<256x1024xbf16> to vector<256x64xbf16>
    %slice3A_281 = vector.extract_strided_slice %convert_element_type3A_30 {offsets = [0, 704], sizes = [256, 64], strides = [1, 1]} : vector<256x1024xbf16> to vector<256x64xbf16>
    %slice3A_282 = vector.extract_strided_slice %convert_element_type3A_33 {offsets = [0, 704], sizes = [256, 64], strides = [1, 1]} : vector<256x1024xbf16> to vector<256x64xbf16>
    %dot_general3A_283 = arith.constant dense<0.000000e+00> : vector<256x256xf32>
    %dot_general3A_284 = tpu.matmul %slice3A_280, %slice3A_281, %dot_general3A_283 {dimension_numbers = #tpu.dot_dimension_numbers<[1], [1], [0], [0], [0, 0, 1, 0], [], []>, transpose_lhs_hint = false} : vector<256x64xbf16>, vector<256x64xbf16>, vector<256x256xf32> -> vector<256x256xf32>
    %reduce_max3A_285 = arith.constant dense<0xFF800000> : vector<256xf32>
    %reduce_max3A_286 = vector.multi_reduction <maximumf>, %dot_general3A_284, %reduce_max3A_285 [1] : vector<256x256xf32> to vector<256xf32>
    %broadcast_in_dim3A_287 = vector.shape_cast %reduce_max3A_286 : vector<256xf32> to vector<256x1xf32>
    %sub3A_288 = vector.broadcast %broadcast_in_dim3A_287 : vector<256x1xf32> to vector<256x256xf32>
    %sub3A_289 = arith.subf %dot_general3A_284, %sub3A_288 : vector<256x256xf32>
    %exp3A_290 = math.exp %sub3A_289 : vector<256x256xf32>
    %reduce_sum3A_291 = arith.constant dense<0.000000e+00> : vector<256xf32>
    %reduce_sum3A_292 = vector.multi_reduction <add>, %exp3A_290, %reduce_sum3A_291 [1] : vector<256x256xf32> to vector<256xf32>
    %broadcast_in_dim3A_293 = vector.shape_cast %reduce_sum3A_292 : vector<256xf32> to vector<256x1xf32>
    %div3A_294 = arith.constant 1.000000e+00 : f32
    %div3A_295 = vector.broadcast %div3A_294 : f32 to vector<256x1xf32>
    %div3A_296 = arith.divf %div3A_295, %broadcast_in_dim3A_293 : vector<256x1xf32>
    %convert_element_type3A_297 = arith.truncf %exp3A_290 : vector<256x256xf32> to vector<256x256xbf16>
    %dot_general3A_298 = arith.constant dense<0.000000e+00> : vector<256x64xf32>
    %dot_general3A_299 = tpu.matmul %convert_element_type3A_297, %slice3A_282, %dot_general3A_298 {dimension_numbers = #tpu.dot_dimension_numbers<[1], [0], [0], [1], [0, 0, 1, 1], [], []>, transpose_lhs_hint = false} : vector<256x256xbf16>, vector<256x64xbf16>, vector<256x64xf32> -> vector<256x64xf32>
    %mul3A_300 = vector.broadcast %div3A_296 : vector<256x1xf32> to vector<256x64xf32>
    %mul3A_301 = arith.mulf %dot_general3A_299, %mul3A_300 : vector<256x64xf32>
    %convert_element_type3A_302 = arith.truncf %mul3A_301 : vector<256x64xf32> to vector<256x64xbf16>
    %slice3A_303 = vector.extract_strided_slice %convert_element_type3A {offsets = [0, 768], sizes = [256, 64], strides = [1, 1]} : vector<256x1024xbf16> to vector<256x64xbf16>
    %slice3A_304 = vector.extract_strided_slice %convert_element_type3A_30 {offsets = [0, 768], sizes = [256, 64], strides = [1, 1]} : vector<256x1024xbf16> to vector<256x64xbf16>
    %slice3A_305 = vector.extract_strided_slice %convert_element_type3A_33 {offsets = [0, 768], sizes = [256, 64], strides = [1, 1]} : vector<256x1024xbf16> to vector<256x64xbf16>
    %dot_general3A_306 = arith.constant dense<0.000000e+00> : vector<256x256xf32>
    %dot_general3A_307 = tpu.matmul %slice3A_303, %slice3A_304, %dot_general3A_306 {dimension_numbers = #tpu.dot_dimension_numbers<[1], [1], [0], [0], [0, 0, 1, 0], [], []>, transpose_lhs_hint = false} : vector<256x64xbf16>, vector<256x64xbf16>, vector<256x256xf32> -> vector<256x256xf32>
    %reduce_max3A_308 = arith.constant dense<0xFF800000> : vector<256xf32>
    %reduce_max3A_309 = vector.multi_reduction <maximumf>, %dot_general3A_307, %reduce_max3A_308 [1] : vector<256x256xf32> to vector<256xf32>
    %broadcast_in_dim3A_310 = vector.shape_cast %reduce_max3A_309 : vector<256xf32> to vector<256x1xf32>
    %sub3A_311 = vector.broadcast %broadcast_in_dim3A_310 : vector<256x1xf32> to vector<256x256xf32>
    %sub3A_312 = arith.subf %dot_general3A_307, %sub3A_311 : vector<256x256xf32>
    %exp3A_313 = math.exp %sub3A_312 : vector<256x256xf32>
    %reduce_sum3A_314 = arith.constant dense<0.000000e+00> : vector<256xf32>
    %reduce_sum3A_315 = vector.multi_reduction <add>, %exp3A_313, %reduce_sum3A_314 [1] : vector<256x256xf32> to vector<256xf32>
    %broadcast_in_dim3A_316 = vector.shape_cast %reduce_sum3A_315 : vector<256xf32> to vector<256x1xf32>
    %div3A_317 = arith.constant 1.000000e+00 : f32
    %div3A_318 = vector.broadcast %div3A_317 : f32 to vector<256x1xf32>
    %div3A_319 = arith.divf %div3A_318, %broadcast_in_dim3A_316 : vector<256x1xf32>
    %convert_element_type3A_320 = arith.truncf %exp3A_313 : vector<256x256xf32> to vector<256x256xbf16>
    %dot_general3A_321 = arith.constant dense<0.000000e+00> : vector<256x64xf32>
    %dot_general3A_322 = tpu.matmul %convert_element_type3A_320, %slice3A_305, %dot_general3A_321 {dimension_numbers = #tpu.dot_dimension_numbers<[1], [0], [0], [1], [0, 0, 1, 1], [], []>, transpose_lhs_hint = false} : vector<256x256xbf16>, vector<256x64xbf16>, vector<256x64xf32> -> vector<256x64xf32>
    %mul3A_323 = vector.broadcast %div3A_319 : vector<256x1xf32> to vector<256x64xf32>
    %mul3A_324 = arith.mulf %dot_general3A_322, %mul3A_323 : vector<256x64xf32>
    %convert_element_type3A_325 = arith.truncf %mul3A_324 : vector<256x64xf32> to vector<256x64xbf16>
    %slice3A_326 = vector.extract_strided_slice %convert_element_type3A {offsets = [0, 832], sizes = [256, 64], strides = [1, 1]} : vector<256x1024xbf16> to vector<256x64xbf16>
    %slice3A_327 = vector.extract_strided_slice %convert_element_type3A_30 {offsets = [0, 832], sizes = [256, 64], strides = [1, 1]} : vector<256x1024xbf16> to vector<256x64xbf16>
    %slice3A_328 = vector.extract_strided_slice %convert_element_type3A_33 {offsets = [0, 832], sizes = [256, 64], strides = [1, 1]} : vector<256x1024xbf16> to vector<256x64xbf16>
    %dot_general3A_329 = arith.constant dense<0.000000e+00> : vector<256x256xf32>
    %dot_general3A_330 = tpu.matmul %slice3A_326, %slice3A_327, %dot_general3A_329 {dimension_numbers = #tpu.dot_dimension_numbers<[1], [1], [0], [0], [0, 0, 1, 0], [], []>, transpose_lhs_hint = false} : vector<256x64xbf16>, vector<256x64xbf16>, vector<256x256xf32> -> vector<256x256xf32>
    %reduce_max3A_331 = arith.constant dense<0xFF800000> : vector<256xf32>
    %reduce_max3A_332 = vector.multi_reduction <maximumf>, %dot_general3A_330, %reduce_max3A_331 [1] : vector<256x256xf32> to vector<256xf32>
    %broadcast_in_dim3A_333 = vector.shape_cast %reduce_max3A_332 : vector<256xf32> to vector<256x1xf32>
    %sub3A_334 = vector.broadcast %broadcast_in_dim3A_333 : vector<256x1xf32> to vector<256x256xf32>
    %sub3A_335 = arith.subf %dot_general3A_330, %sub3A_334 : vector<256x256xf32>
    %exp3A_336 = math.exp %sub3A_335 : vector<256x256xf32>
    %reduce_sum3A_337 = arith.constant dense<0.000000e+00> : vector<256xf32>
    %reduce_sum3A_338 = vector.multi_reduction <add>, %exp3A_336, %reduce_sum3A_337 [1] : vector<256x256xf32> to vector<256xf32>
    %broadcast_in_dim3A_339 = vector.shape_cast %reduce_sum3A_338 : vector<256xf32> to vector<256x1xf32>
    %div3A_340 = arith.constant 1.000000e+00 : f32
    %div3A_341 = vector.broadcast %div3A_340 : f32 to vector<256x1xf32>
    %div3A_342 = arith.divf %div3A_341, %broadcast_in_dim3A_339 : vector<256x1xf32>
    %convert_element_type3A_343 = arith.truncf %exp3A_336 : vector<256x256xf32> to vector<256x256xbf16>
    %dot_general3A_344 = arith.constant dense<0.000000e+00> : vector<256x64xf32>
    %dot_general3A_345 = tpu.matmul %convert_element_type3A_343, %slice3A_328, %dot_general3A_344 {dimension_numbers = #tpu.dot_dimension_numbers<[1], [0], [0], [1], [0, 0, 1, 1], [], []>, transpose_lhs_hint = false} : vector<256x256xbf16>, vector<256x64xbf16>, vector<256x64xf32> -> vector<256x64xf32>
    %mul3A_346 = vector.broadcast %div3A_342 : vector<256x1xf32> to vector<256x64xf32>
    %mul3A_347 = arith.mulf %dot_general3A_345, %mul3A_346 : vector<256x64xf32>
    %convert_element_type3A_348 = arith.truncf %mul3A_347 : vector<256x64xf32> to vector<256x64xbf16>
    %slice3A_349 = vector.extract_strided_slice %convert_element_type3A {offsets = [0, 896], sizes = [256, 64], strides = [1, 1]} : vector<256x1024xbf16> to vector<256x64xbf16>
    %slice3A_350 = vector.extract_strided_slice %convert_element_type3A_30 {offsets = [0, 896], sizes = [256, 64], strides = [1, 1]} : vector<256x1024xbf16> to vector<256x64xbf16>
    %slice3A_351 = vector.extract_strided_slice %convert_element_type3A_33 {offsets = [0, 896], sizes = [256, 64], strides = [1, 1]} : vector<256x1024xbf16> to vector<256x64xbf16>
    %dot_general3A_352 = arith.constant dense<0.000000e+00> : vector<256x256xf32>
    %dot_general3A_353 = tpu.matmul %slice3A_349, %slice3A_350, %dot_general3A_352 {dimension_numbers = #tpu.dot_dimension_numbers<[1], [1], [0], [0], [0, 0, 1, 0], [], []>, transpose_lhs_hint = false} : vector<256x64xbf16>, vector<256x64xbf16>, vector<256x256xf32> -> vector<256x256xf32>
    %reduce_max3A_354 = arith.constant dense<0xFF800000> : vector<256xf32>
    %reduce_max3A_355 = vector.multi_reduction <maximumf>, %dot_general3A_353, %reduce_max3A_354 [1] : vector<256x256xf32> to vector<256xf32>
    %broadcast_in_dim3A_356 = vector.shape_cast %reduce_max3A_355 : vector<256xf32> to vector<256x1xf32>
    %sub3A_357 = vector.broadcast %broadcast_in_dim3A_356 : vector<256x1xf32> to vector<256x256xf32>
    %sub3A_358 = arith.subf %dot_general3A_353, %sub3A_357 : vector<256x256xf32>
    %exp3A_359 = math.exp %sub3A_358 : vector<256x256xf32>
    %reduce_sum3A_360 = arith.constant dense<0.000000e+00> : vector<256xf32>
    %reduce_sum3A_361 = vector.multi_reduction <add>, %exp3A_359, %reduce_sum3A_360 [1] : vector<256x256xf32> to vector<256xf32>
    %broadcast_in_dim3A_362 = vector.shape_cast %reduce_sum3A_361 : vector<256xf32> to vector<256x1xf32>
    %div3A_363 = arith.constant 1.000000e+00 : f32
    %div3A_364 = vector.broadcast %div3A_363 : f32 to vector<256x1xf32>
    %div3A_365 = arith.divf %div3A_364, %broadcast_in_dim3A_362 : vector<256x1xf32>
    %convert_element_type3A_366 = arith.truncf %exp3A_359 : vector<256x256xf32> to vector<256x256xbf16>
    %dot_general3A_367 = arith.constant dense<0.000000e+00> : vector<256x64xf32>
    %dot_general3A_368 = tpu.matmul %convert_element_type3A_366, %slice3A_351, %dot_general3A_367 {dimension_numbers = #tpu.dot_dimension_numbers<[1], [0], [0], [1], [0, 0, 1, 1], [], []>, transpose_lhs_hint = false} : vector<256x256xbf16>, vector<256x64xbf16>, vector<256x64xf32> -> vector<256x64xf32>
    %mul3A_369 = vector.broadcast %div3A_365 : vector<256x1xf32> to vector<256x64xf32>
    %mul3A_370 = arith.mulf %dot_general3A_368, %mul3A_369 : vector<256x64xf32>
    %convert_element_type3A_371 = arith.truncf %mul3A_370 : vector<256x64xf32> to vector<256x64xbf16>
    %slice3A_372 = vector.extract_strided_slice %convert_element_type3A {offsets = [0, 960], sizes = [256, 64], strides = [1, 1]} : vector<256x1024xbf16> to vector<256x64xbf16>
    %slice3A_373 = vector.extract_strided_slice %convert_element_type3A_30 {offsets = [0, 960], sizes = [256, 64], strides = [1, 1]} : vector<256x1024xbf16> to vector<256x64xbf16>
    %slice3A_374 = vector.extract_strided_slice %convert_element_type3A_33 {offsets = [0, 960], sizes = [256, 64], strides = [1, 1]} : vector<256x1024xbf16> to vector<256x64xbf16>
    %dot_general3A_375 = arith.constant dense<0.000000e+00> : vector<256x256xf32>
    %dot_general3A_376 = tpu.matmul %slice3A_372, %slice3A_373, %dot_general3A_375 {dimension_numbers = #tpu.dot_dimension_numbers<[1], [1], [0], [0], [0, 0, 1, 0], [], []>, transpose_lhs_hint = false} : vector<256x64xbf16>, vector<256x64xbf16>, vector<256x256xf32> -> vector<256x256xf32>
    %reduce_max3A_377 = arith.constant dense<0xFF800000> : vector<256xf32>
    %reduce_max3A_378 = vector.multi_reduction <maximumf>, %dot_general3A_376, %reduce_max3A_377 [1] : vector<256x256xf32> to vector<256xf32>
    %broadcast_in_dim3A_379 = vector.shape_cast %reduce_max3A_378 : vector<256xf32> to vector<256x1xf32>
    %sub3A_380 = vector.broadcast %broadcast_in_dim3A_379 : vector<256x1xf32> to vector<256x256xf32>
    %sub3A_381 = arith.subf %dot_general3A_376, %sub3A_380 : vector<256x256xf32>
    %exp3A_382 = math.exp %sub3A_381 : vector<256x256xf32>
    %reduce_sum3A_383 = arith.constant dense<0.000000e+00> : vector<256xf32>
    %reduce_sum3A_384 = vector.multi_reduction <add>, %exp3A_382, %reduce_sum3A_383 [1] : vector<256x256xf32> to vector<256xf32>
    %broadcast_in_dim3A_385 = vector.shape_cast %reduce_sum3A_384 : vector<256xf32> to vector<256x1xf32>
    %div3A_386 = arith.constant 1.000000e+00 : f32
    %div3A_387 = vector.broadcast %div3A_386 : f32 to vector<256x1xf32>
    %div3A_388 = arith.divf %div3A_387, %broadcast_in_dim3A_385 : vector<256x1xf32>
    %convert_element_type3A_389 = arith.truncf %exp3A_382 : vector<256x256xf32> to vector<256x256xbf16>
    %dot_general3A_390 = arith.constant dense<0.000000e+00> : vector<256x64xf32>
    %dot_general3A_391 = tpu.matmul %convert_element_type3A_389, %slice3A_374, %dot_general3A_390 {dimension_numbers = #tpu.dot_dimension_numbers<[1], [0], [0], [1], [0, 0, 1, 1], [], []>, transpose_lhs_hint = false} : vector<256x256xbf16>, vector<256x64xbf16>, vector<256x64xf32> -> vector<256x64xf32>
    %mul3A_392 = vector.broadcast %div3A_388 : vector<256x1xf32> to vector<256x64xf32>
    %mul3A_393 = arith.mulf %dot_general3A_391, %mul3A_392 : vector<256x64xf32>
    %convert_element_type3A_394 = arith.truncf %mul3A_393 : vector<256x64xf32> to vector<256x64xbf16>
    %concatenate3A = tpu.concatenate %convert_element_type3A_49, %convert_element_type3A_72, %convert_element_type3A_95, %convert_element_type3A_118, %convert_element_type3A_141, %convert_element_type3A_164, %convert_element_type3A_187, %convert_element_type3A_210, %convert_element_type3A_233, %convert_element_type3A_256, %convert_element_type3A_279, %convert_element_type3A_302, %convert_element_type3A_325, %convert_element_type3A_348, %convert_element_type3A_371, %convert_element_type3A_394 in 1 : vector<256x64xbf16>, vector<256x64xbf16>, vector<256x64xbf16>, vector<256x64xbf16>, vector<256x64xbf16>, vector<256x64xbf16>, vector<256x64xbf16>, vector<256x64xbf16>, vector<256x64xbf16>, vector<256x64xbf16>, vector<256x64xbf16>, vector<256x64xbf16>, vector<256x64xbf16>, vector<256x64xbf16>, vector<256x64xbf16>, vector<256x64xbf16> -> vector<256x1024xbf16>
    %get3A_395 = arith.constant 0 : index
    %get3A_396 = arith.constant 0 : index
    %get3A_397 = vector.load %arg3[%get3A_395, %get3A_396] : memref<256x1024xbf16, #tpu.memory_space<vmem>>, vector<256x1024xbf16>
    %get3A_398 = arith.constant 0 : index
    %get3A_399 = arith.constant 0 : index
    %get3A_400 = vector.load %arg4[%get3A_398, %get3A_399] : memref<4096x1024xbf16, #tpu.memory_space<vmem>>, vector<1024x1024xbf16>
    %dot_general3A_401 = arith.constant dense<0.000000e+00> : vector<256x1024xf32>
    %dot_general3A_402 = tpu.matmul %get3A_397, %get3A_400, %dot_general3A_401 {dimension_numbers = #tpu.dot_dimension_numbers<[1], [1], [0], [0], [0, 0, 1, 0], [], []>, transpose_lhs_hint = false} : vector<256x1024xbf16>, vector<1024x1024xbf16>, vector<256x1024xf32> -> vector<256x1024xf32>
    %get3A_403 = arith.constant 1024 : index
    %get3A_404 = arith.constant 0 : index
    %get3A_405 = vector.load %arg4[%get3A_403, %get3A_404] : memref<4096x1024xbf16, #tpu.memory_space<vmem>>, vector<1024x1024xbf16>
    %dot_general3A_406 = arith.constant dense<0.000000e+00> : vector<256x1024xf32>
    %dot_general3A_407 = tpu.matmul %get3A_397, %get3A_405, %dot_general3A_406 {dimension_numbers = #tpu.dot_dimension_numbers<[1], [1], [0], [0], [0, 0, 1, 0], [], []>, transpose_lhs_hint = false} : vector<256x1024xbf16>, vector<1024x1024xbf16>, vector<256x1024xf32> -> vector<256x1024xf32>
    %get3A_408 = arith.constant 2048 : index
    %get3A_409 = arith.constant 0 : index
    %get3A_410 = vector.load %arg4[%get3A_408, %get3A_409] : memref<4096x1024xbf16, #tpu.memory_space<vmem>>, vector<1024x1024xbf16>
    %dot_general3A_411 = arith.constant dense<0.000000e+00> : vector<256x1024xf32>
    %dot_general3A_412 = tpu.matmul %get3A_397, %get3A_410, %dot_general3A_411 {dimension_numbers = #tpu.dot_dimension_numbers<[1], [1], [0], [0], [0, 0, 1, 0], [], []>, transpose_lhs_hint = false} : vector<256x1024xbf16>, vector<1024x1024xbf16>, vector<256x1024xf32> -> vector<256x1024xf32>
    %add3A_413 = vector.broadcast %mul3A_3 : vector<1x1024xf32> to vector<256x1024xf32>
    %add3A_414 = arith.addf %dot_general3A_402, %add3A_413 : vector<256x1024xf32>
    %convert_element_type3A_415 = arith.truncf %add3A_414 : vector<256x1024xf32> to vector<256x1024xbf16>
    %add3A_416 = vector.broadcast %get3A_6 : vector<1x1024xf32> to vector<256x1024xf32>
    %add3A_417 = arith.addf %dot_general3A_407, %add3A_416 : vector<256x1024xf32>
    %convert_element_type3A_418 = arith.truncf %add3A_417 : vector<256x1024xf32> to vector<256x1024xbf16>
    %add3A_419 = vector.broadcast %get3A_9 : vector<1x1024xf32> to vector<256x1024xf32>
    %add3A_420 = arith.addf %dot_general3A_412, %add3A_419 : vector<256x1024xf32>
    %convert_element_type3A_421 = arith.truncf %add3A_420 : vector<256x1024xf32> to vector<256x1024xbf16>
    %slice3A_422 = vector.extract_strided_slice %convert_element_type3A_415 {offsets = [0, 0], sizes = [256, 64], strides = [1, 1]} : vector<256x1024xbf16> to vector<256x64xbf16>
    %slice3A_423 = vector.extract_strided_slice %convert_element_type3A_418 {offsets = [0, 0], sizes = [256, 64], strides = [1, 1]} : vector<256x1024xbf16> to vector<256x64xbf16>
    %slice3A_424 = vector.extract_strided_slice %convert_element_type3A_421 {offsets = [0, 0], sizes = [256, 64], strides = [1, 1]} : vector<256x1024xbf16> to vector<256x64xbf16>
    %dot_general3A_425 = arith.constant dense<0.000000e+00> : vector<256x256xf32>
    %dot_general3A_426 = tpu.matmul %slice3A_422, %slice3A_423, %dot_general3A_425 {dimension_numbers = #tpu.dot_dimension_numbers<[1], [1], [0], [0], [0, 0, 1, 0], [], []>, transpose_lhs_hint = false} : vector<256x64xbf16>, vector<256x64xbf16>, vector<256x256xf32> -> vector<256x256xf32>
    %reduce_max3A_427 = arith.constant dense<0xFF800000> : vector<256xf32>
    %reduce_max3A_428 = vector.multi_reduction <maximumf>, %dot_general3A_426, %reduce_max3A_427 [1] : vector<256x256xf32> to vector<256xf32>
    %broadcast_in_dim3A_429 = vector.shape_cast %reduce_max3A_428 : vector<256xf32> to vector<256x1xf32>
    %sub3A_430 = vector.broadcast %broadcast_in_dim3A_429 : vector<256x1xf32> to vector<256x256xf32>
    %sub3A_431 = arith.subf %dot_general3A_426, %sub3A_430 : vector<256x256xf32>
    %exp3A_432 = math.exp %sub3A_431 : vector<256x256xf32>
    %reduce_sum3A_433 = arith.constant dense<0.000000e+00> : vector<256xf32>
    %reduce_sum3A_434 = vector.multi_reduction <add>, %exp3A_432, %reduce_sum3A_433 [1] : vector<256x256xf32> to vector<256xf32>
    %broadcast_in_dim3A_435 = vector.shape_cast %reduce_sum3A_434 : vector<256xf32> to vector<256x1xf32>
    %div3A_436 = arith.constant 1.000000e+00 : f32
    %div3A_437 = vector.broadcast %div3A_436 : f32 to vector<256x1xf32>
    %div3A_438 = arith.divf %div3A_437, %broadcast_in_dim3A_435 : vector<256x1xf32>
    %convert_element_type3A_439 = arith.truncf %exp3A_432 : vector<256x256xf32> to vector<256x256xbf16>
    %dot_general3A_440 = arith.constant dense<0.000000e+00> : vector<256x64xf32>
    %dot_general3A_441 = tpu.matmul %convert_element_type3A_439, %slice3A_424, %dot_general3A_440 {dimension_numbers = #tpu.dot_dimension_numbers<[1], [0], [0], [1], [0, 0, 1, 1], [], []>, transpose_lhs_hint = false} : vector<256x256xbf16>, vector<256x64xbf16>, vector<256x64xf32> -> vector<256x64xf32>
    %mul3A_442 = vector.broadcast %div3A_438 : vector<256x1xf32> to vector<256x64xf32>
    %mul3A_443 = arith.mulf %dot_general3A_441, %mul3A_442 : vector<256x64xf32>
    %convert_element_type3A_444 = arith.truncf %mul3A_443 : vector<256x64xf32> to vector<256x64xbf16>
    %slice3A_445 = vector.extract_strided_slice %convert_element_type3A_415 {offsets = [0, 64], sizes = [256, 64], strides = [1, 1]} : vector<256x1024xbf16> to vector<256x64xbf16>
    %slice3A_446 = vector.extract_strided_slice %convert_element_type3A_418 {offsets = [0, 64], sizes = [256, 64], strides = [1, 1]} : vector<256x1024xbf16> to vector<256x64xbf16>
    %slice3A_447 = vector.extract_strided_slice %convert_element_type3A_421 {offsets = [0, 64], sizes = [256, 64], strides = [1, 1]} : vector<256x1024xbf16> to vector<256x64xbf16>
    %dot_general3A_448 = arith.constant dense<0.000000e+00> : vector<256x256xf32>
    %dot_general3A_449 = tpu.matmul %slice3A_445, %slice3A_446, %dot_general3A_448 {dimension_numbers = #tpu.dot_dimension_numbers<[1], [1], [0], [0], [0, 0, 1, 0], [], []>, transpose_lhs_hint = false} : vector<256x64xbf16>, vector<256x64xbf16>, vector<256x256xf32> -> vector<256x256xf32>
    %reduce_max3A_450 = arith.constant dense<0xFF800000> : vector<256xf32>
    %reduce_max3A_451 = vector.multi_reduction <maximumf>, %dot_general3A_449, %reduce_max3A_450 [1] : vector<256x256xf32> to vector<256xf32>
    %broadcast_in_dim3A_452 = vector.shape_cast %reduce_max3A_451 : vector<256xf32> to vector<256x1xf32>
    %sub3A_453 = vector.broadcast %broadcast_in_dim3A_452 : vector<256x1xf32> to vector<256x256xf32>
    %sub3A_454 = arith.subf %dot_general3A_449, %sub3A_453 : vector<256x256xf32>
    %exp3A_455 = math.exp %sub3A_454 : vector<256x256xf32>
    %reduce_sum3A_456 = arith.constant dense<0.000000e+00> : vector<256xf32>
    %reduce_sum3A_457 = vector.multi_reduction <add>, %exp3A_455, %reduce_sum3A_456 [1] : vector<256x256xf32> to vector<256xf32>
    %broadcast_in_dim3A_458 = vector.shape_cast %reduce_sum3A_457 : vector<256xf32> to vector<256x1xf32>
    %div3A_459 = arith.constant 1.000000e+00 : f32
    %div3A_460 = vector.broadcast %div3A_459 : f32 to vector<256x1xf32>
    %div3A_461 = arith.divf %div3A_460, %broadcast_in_dim3A_458 : vector<256x1xf32>
    %convert_element_type3A_462 = arith.truncf %exp3A_455 : vector<256x256xf32> to vector<256x256xbf16>
    %dot_general3A_463 = arith.constant dense<0.000000e+00> : vector<256x64xf32>
    %dot_general3A_464 = tpu.matmul %convert_element_type3A_462, %slice3A_447, %dot_general3A_463 {dimension_numbers = #tpu.dot_dimension_numbers<[1], [0], [0], [1], [0, 0, 1, 1], [], []>, transpose_lhs_hint = false} : vector<256x256xbf16>, vector<256x64xbf16>, vector<256x64xf32> -> vector<256x64xf32>
    %mul3A_465 = vector.broadcast %div3A_461 : vector<256x1xf32> to vector<256x64xf32>
    %mul3A_466 = arith.mulf %dot_general3A_464, %mul3A_465 : vector<256x64xf32>
    %convert_element_type3A_467 = arith.truncf %mul3A_466 : vector<256x64xf32> to vector<256x64xbf16>
    %slice3A_468 = vector.extract_strided_slice %convert_element_type3A_415 {offsets = [0, 128], sizes = [256, 64], strides = [1, 1]} : vector<256x1024xbf16> to vector<256x64xbf16>
    %slice3A_469 = vector.extract_strided_slice %convert_element_type3A_418 {offsets = [0, 128], sizes = [256, 64], strides = [1, 1]} : vector<256x1024xbf16> to vector<256x64xbf16>
    %slice3A_470 = vector.extract_strided_slice %convert_element_type3A_421 {offsets = [0, 128], sizes = [256, 64], strides = [1, 1]} : vector<256x1024xbf16> to vector<256x64xbf16>
    %dot_general3A_471 = arith.constant dense<0.000000e+00> : vector<256x256xf32>
    %dot_general3A_472 = tpu.matmul %slice3A_468, %slice3A_469, %dot_general3A_471 {dimension_numbers = #tpu.dot_dimension_numbers<[1], [1], [0], [0], [0, 0, 1, 0], [], []>, transpose_lhs_hint = false} : vector<256x64xbf16>, vector<256x64xbf16>, vector<256x256xf32> -> vector<256x256xf32>
    %reduce_max3A_473 = arith.constant dense<0xFF800000> : vector<256xf32>
    %reduce_max3A_474 = vector.multi_reduction <maximumf>, %dot_general3A_472, %reduce_max3A_473 [1] : vector<256x256xf32> to vector<256xf32>
    %broadcast_in_dim3A_475 = vector.shape_cast %reduce_max3A_474 : vector<256xf32> to vector<256x1xf32>
    %sub3A_476 = vector.broadcast %broadcast_in_dim3A_475 : vector<256x1xf32> to vector<256x256xf32>
    %sub3A_477 = arith.subf %dot_general3A_472, %sub3A_476 : vector<256x256xf32>
    %exp3A_478 = math.exp %sub3A_477 : vector<256x256xf32>
    %reduce_sum3A_479 = arith.constant dense<0.000000e+00> : vector<256xf32>
    %reduce_sum3A_480 = vector.multi_reduction <add>, %exp3A_478, %reduce_sum3A_479 [1] : vector<256x256xf32> to vector<256xf32>
    %broadcast_in_dim3A_481 = vector.shape_cast %reduce_sum3A_480 : vector<256xf32> to vector<256x1xf32>
    %div3A_482 = arith.constant 1.000000e+00 : f32
    %div3A_483 = vector.broadcast %div3A_482 : f32 to vector<256x1xf32>
    %div3A_484 = arith.divf %div3A_483, %broadcast_in_dim3A_481 : vector<256x1xf32>
    %convert_element_type3A_485 = arith.truncf %exp3A_478 : vector<256x256xf32> to vector<256x256xbf16>
    %dot_general3A_486 = arith.constant dense<0.000000e+00> : vector<256x64xf32>
    %dot_general3A_487 = tpu.matmul %convert_element_type3A_485, %slice3A_470, %dot_general3A_486 {dimension_numbers = #tpu.dot_dimension_numbers<[1], [0], [0], [1], [0, 0, 1, 1], [], []>, transpose_lhs_hint = false} : vector<256x256xbf16>, vector<256x64xbf16>, vector<256x64xf32> -> vector<256x64xf32>
    %mul3A_488 = vector.broadcast %div3A_484 : vector<256x1xf32> to vector<256x64xf32>
    %mul3A_489 = arith.mulf %dot_general3A_487, %mul3A_488 : vector<256x64xf32>
    %convert_element_type3A_490 = arith.truncf %mul3A_489 : vector<256x64xf32> to vector<256x64xbf16>
    %slice3A_491 = vector.extract_strided_slice %convert_element_type3A_415 {offsets = [0, 192], sizes = [256, 64], strides = [1, 1]} : vector<256x1024xbf16> to vector<256x64xbf16>
    %slice3A_492 = vector.extract_strided_slice %convert_element_type3A_418 {offsets = [0, 192], sizes = [256, 64], strides = [1, 1]} : vector<256x1024xbf16> to vector<256x64xbf16>
    %slice3A_493 = vector.extract_strided_slice %convert_element_type3A_421 {offsets = [0, 192], sizes = [256, 64], strides = [1, 1]} : vector<256x1024xbf16> to vector<256x64xbf16>
    %dot_general3A_494 = arith.constant dense<0.000000e+00> : vector<256x256xf32>
    %dot_general3A_495 = tpu.matmul %slice3A_491, %slice3A_492, %dot_general3A_494 {dimension_numbers = #tpu.dot_dimension_numbers<[1], [1], [0], [0], [0, 0, 1, 0], [], []>, transpose_lhs_hint = false} : vector<256x64xbf16>, vector<256x64xbf16>, vector<256x256xf32> -> vector<256x256xf32>
    %reduce_max3A_496 = arith.constant dense<0xFF800000> : vector<256xf32>
    %reduce_max3A_497 = vector.multi_reduction <maximumf>, %dot_general3A_495, %reduce_max3A_496 [1] : vector<256x256xf32> to vector<256xf32>
    %broadcast_in_dim3A_498 = vector.shape_cast %reduce_max3A_497 : vector<256xf32> to vector<256x1xf32>
    %sub3A_499 = vector.broadcast %broadcast_in_dim3A_498 : vector<256x1xf32> to vector<256x256xf32>
    %sub3A_500 = arith.subf %dot_general3A_495, %sub3A_499 : vector<256x256xf32>
    %exp3A_501 = math.exp %sub3A_500 : vector<256x256xf32>
    %reduce_sum3A_502 = arith.constant dense<0.000000e+00> : vector<256xf32>
    %reduce_sum3A_503 = vector.multi_reduction <add>, %exp3A_501, %reduce_sum3A_502 [1] : vector<256x256xf32> to vector<256xf32>
    %broadcast_in_dim3A_504 = vector.shape_cast %reduce_sum3A_503 : vector<256xf32> to vector<256x1xf32>
    %div3A_505 = arith.constant 1.000000e+00 : f32
    %div3A_506 = vector.broadcast %div3A_505 : f32 to vector<256x1xf32>
    %div3A_507 = arith.divf %div3A_506, %broadcast_in_dim3A_504 : vector<256x1xf32>
    %convert_element_type3A_508 = arith.truncf %exp3A_501 : vector<256x256xf32> to vector<256x256xbf16>
    %dot_general3A_509 = arith.constant dense<0.000000e+00> : vector<256x64xf32>
    %dot_general3A_510 = tpu.matmul %convert_element_type3A_508, %slice3A_493, %dot_general3A_509 {dimension_numbers = #tpu.dot_dimension_numbers<[1], [0], [0], [1], [0, 0, 1, 1], [], []>, transpose_lhs_hint = false} : vector<256x256xbf16>, vector<256x64xbf16>, vector<256x64xf32> -> vector<256x64xf32>
    %mul3A_511 = vector.broadcast %div3A_507 : vector<256x1xf32> to vector<256x64xf32>
    %mul3A_512 = arith.mulf %dot_general3A_510, %mul3A_511 : vector<256x64xf32>
    %convert_element_type3A_513 = arith.truncf %mul3A_512 : vector<256x64xf32> to vector<256x64xbf16>
    %slice3A_514 = vector.extract_strided_slice %convert_element_type3A_415 {offsets = [0, 256], sizes = [256, 64], strides = [1, 1]} : vector<256x1024xbf16> to vector<256x64xbf16>
    %slice3A_515 = vector.extract_strided_slice %convert_element_type3A_418 {offsets = [0, 256], sizes = [256, 64], strides = [1, 1]} : vector<256x1024xbf16> to vector<256x64xbf16>
    %slice3A_516 = vector.extract_strided_slice %convert_element_type3A_421 {offsets = [0, 256], sizes = [256, 64], strides = [1, 1]} : vector<256x1024xbf16> to vector<256x64xbf16>
    %dot_general3A_517 = arith.constant dense<0.000000e+00> : vector<256x256xf32>
    %dot_general3A_518 = tpu.matmul %slice3A_514, %slice3A_515, %dot_general3A_517 {dimension_numbers = #tpu.dot_dimension_numbers<[1], [1], [0], [0], [0, 0, 1, 0], [], []>, transpose_lhs_hint = false} : vector<256x64xbf16>, vector<256x64xbf16>, vector<256x256xf32> -> vector<256x256xf32>
    %reduce_max3A_519 = arith.constant dense<0xFF800000> : vector<256xf32>
    %reduce_max3A_520 = vector.multi_reduction <maximumf>, %dot_general3A_518, %reduce_max3A_519 [1] : vector<256x256xf32> to vector<256xf32>
    %broadcast_in_dim3A_521 = vector.shape_cast %reduce_max3A_520 : vector<256xf32> to vector<256x1xf32>
    %sub3A_522 = vector.broadcast %broadcast_in_dim3A_521 : vector<256x1xf32> to vector<256x256xf32>
    %sub3A_523 = arith.subf %dot_general3A_518, %sub3A_522 : vector<256x256xf32>
    %exp3A_524 = math.exp %sub3A_523 : vector<256x256xf32>
    %reduce_sum3A_525 = arith.constant dense<0.000000e+00> : vector<256xf32>
    %reduce_sum3A_526 = vector.multi_reduction <add>, %exp3A_524, %reduce_sum3A_525 [1] : vector<256x256xf32> to vector<256xf32>
    %broadcast_in_dim3A_527 = vector.shape_cast %reduce_sum3A_526 : vector<256xf32> to vector<256x1xf32>
    %div3A_528 = arith.constant 1.000000e+00 : f32
    %div3A_529 = vector.broadcast %div3A_528 : f32 to vector<256x1xf32>
    %div3A_530 = arith.divf %div3A_529, %broadcast_in_dim3A_527 : vector<256x1xf32>
    %convert_element_type3A_531 = arith.truncf %exp3A_524 : vector<256x256xf32> to vector<256x256xbf16>
    %dot_general3A_532 = arith.constant dense<0.000000e+00> : vector<256x64xf32>
    %dot_general3A_533 = tpu.matmul %convert_element_type3A_531, %slice3A_516, %dot_general3A_532 {dimension_numbers = #tpu.dot_dimension_numbers<[1], [0], [0], [1], [0, 0, 1, 1], [], []>, transpose_lhs_hint = false} : vector<256x256xbf16>, vector<256x64xbf16>, vector<256x64xf32> -> vector<256x64xf32>
    %mul3A_534 = vector.broadcast %div3A_530 : vector<256x1xf32> to vector<256x64xf32>
    %mul3A_535 = arith.mulf %dot_general3A_533, %mul3A_534 : vector<256x64xf32>
    %convert_element_type3A_536 = arith.truncf %mul3A_535 : vector<256x64xf32> to vector<256x64xbf16>
    %slice3A_537 = vector.extract_strided_slice %convert_element_type3A_415 {offsets = [0, 320], sizes = [256, 64], strides = [1, 1]} : vector<256x1024xbf16> to vector<256x64xbf16>
    %slice3A_538 = vector.extract_strided_slice %convert_element_type3A_418 {offsets = [0, 320], sizes = [256, 64], strides = [1, 1]} : vector<256x1024xbf16> to vector<256x64xbf16>
    %slice3A_539 = vector.extract_strided_slice %convert_element_type3A_421 {offsets = [0, 320], sizes = [256, 64], strides = [1, 1]} : vector<256x1024xbf16> to vector<256x64xbf16>
    %dot_general3A_540 = arith.constant dense<0.000000e+00> : vector<256x256xf32>
    %dot_general3A_541 = tpu.matmul %slice3A_537, %slice3A_538, %dot_general3A_540 {dimension_numbers = #tpu.dot_dimension_numbers<[1], [1], [0], [0], [0, 0, 1, 0], [], []>, transpose_lhs_hint = false} : vector<256x64xbf16>, vector<256x64xbf16>, vector<256x256xf32> -> vector<256x256xf32>
    %reduce_max3A_542 = arith.constant dense<0xFF800000> : vector<256xf32>
    %reduce_max3A_543 = vector.multi_reduction <maximumf>, %dot_general3A_541, %reduce_max3A_542 [1] : vector<256x256xf32> to vector<256xf32>
    %broadcast_in_dim3A_544 = vector.shape_cast %reduce_max3A_543 : vector<256xf32> to vector<256x1xf32>
    %sub3A_545 = vector.broadcast %broadcast_in_dim3A_544 : vector<256x1xf32> to vector<256x256xf32>
    %sub3A_546 = arith.subf %dot_general3A_541, %sub3A_545 : vector<256x256xf32>
    %exp3A_547 = math.exp %sub3A_546 : vector<256x256xf32>
    %reduce_sum3A_548 = arith.constant dense<0.000000e+00> : vector<256xf32>
    %reduce_sum3A_549 = vector.multi_reduction <add>, %exp3A_547, %reduce_sum3A_548 [1] : vector<256x256xf32> to vector<256xf32>
    %broadcast_in_dim3A_550 = vector.shape_cast %reduce_sum3A_549 : vector<256xf32> to vector<256x1xf32>
    %div3A_551 = arith.constant 1.000000e+00 : f32
    %div3A_552 = vector.broadcast %div3A_551 : f32 to vector<256x1xf32>
    %div3A_553 = arith.divf %div3A_552, %broadcast_in_dim3A_550 : vector<256x1xf32>
    %convert_element_type3A_554 = arith.truncf %exp3A_547 : vector<256x256xf32> to vector<256x256xbf16>
    %dot_general3A_555 = arith.constant dense<0.000000e+00> : vector<256x64xf32>
    %dot_general3A_556 = tpu.matmul %convert_element_type3A_554, %slice3A_539, %dot_general3A_555 {dimension_numbers = #tpu.dot_dimension_numbers<[1], [0], [0], [1], [0, 0, 1, 1], [], []>, transpose_lhs_hint = false} : vector<256x256xbf16>, vector<256x64xbf16>, vector<256x64xf32> -> vector<256x64xf32>
    %mul3A_557 = vector.broadcast %div3A_553 : vector<256x1xf32> to vector<256x64xf32>
    %mul3A_558 = arith.mulf %dot_general3A_556, %mul3A_557 : vector<256x64xf32>
    %convert_element_type3A_559 = arith.truncf %mul3A_558 : vector<256x64xf32> to vector<256x64xbf16>
    %slice3A_560 = vector.extract_strided_slice %convert_element_type3A_415 {offsets = [0, 384], sizes = [256, 64], strides = [1, 1]} : vector<256x1024xbf16> to vector<256x64xbf16>
    %slice3A_561 = vector.extract_strided_slice %convert_element_type3A_418 {offsets = [0, 384], sizes = [256, 64], strides = [1, 1]} : vector<256x1024xbf16> to vector<256x64xbf16>
    %slice3A_562 = vector.extract_strided_slice %convert_element_type3A_421 {offsets = [0, 384], sizes = [256, 64], strides = [1, 1]} : vector<256x1024xbf16> to vector<256x64xbf16>
    %dot_general3A_563 = arith.constant dense<0.000000e+00> : vector<256x256xf32>
    %dot_general3A_564 = tpu.matmul %slice3A_560, %slice3A_561, %dot_general3A_563 {dimension_numbers = #tpu.dot_dimension_numbers<[1], [1], [0], [0], [0, 0, 1, 0], [], []>, transpose_lhs_hint = false} : vector<256x64xbf16>, vector<256x64xbf16>, vector<256x256xf32> -> vector<256x256xf32>
    %reduce_max3A_565 = arith.constant dense<0xFF800000> : vector<256xf32>
    %reduce_max3A_566 = vector.multi_reduction <maximumf>, %dot_general3A_564, %reduce_max3A_565 [1] : vector<256x256xf32> to vector<256xf32>
    %broadcast_in_dim3A_567 = vector.shape_cast %reduce_max3A_566 : vector<256xf32> to vector<256x1xf32>
    %sub3A_568 = vector.broadcast %broadcast_in_dim3A_567 : vector<256x1xf32> to vector<256x256xf32>
    %sub3A_569 = arith.subf %dot_general3A_564, %sub3A_568 : vector<256x256xf32>
    %exp3A_570 = math.exp %sub3A_569 : vector<256x256xf32>
    %reduce_sum3A_571 = arith.constant dense<0.000000e+00> : vector<256xf32>
    %reduce_sum3A_572 = vector.multi_reduction <add>, %exp3A_570, %reduce_sum3A_571 [1] : vector<256x256xf32> to vector<256xf32>
    %broadcast_in_dim3A_573 = vector.shape_cast %reduce_sum3A_572 : vector<256xf32> to vector<256x1xf32>
    %div3A_574 = arith.constant 1.000000e+00 : f32
    %div3A_575 = vector.broadcast %div3A_574 : f32 to vector<256x1xf32>
    %div3A_576 = arith.divf %div3A_575, %broadcast_in_dim3A_573 : vector<256x1xf32>
    %convert_element_type3A_577 = arith.truncf %exp3A_570 : vector<256x256xf32> to vector<256x256xbf16>
    %dot_general3A_578 = arith.constant dense<0.000000e+00> : vector<256x64xf32>
    %dot_general3A_579 = tpu.matmul %convert_element_type3A_577, %slice3A_562, %dot_general3A_578 {dimension_numbers = #tpu.dot_dimension_numbers<[1], [0], [0], [1], [0, 0, 1, 1], [], []>, transpose_lhs_hint = false} : vector<256x256xbf16>, vector<256x64xbf16>, vector<256x64xf32> -> vector<256x64xf32>
    %mul3A_580 = vector.broadcast %div3A_576 : vector<256x1xf32> to vector<256x64xf32>
    %mul3A_581 = arith.mulf %dot_general3A_579, %mul3A_580 : vector<256x64xf32>
    %convert_element_type3A_582 = arith.truncf %mul3A_581 : vector<256x64xf32> to vector<256x64xbf16>
    %slice3A_583 = vector.extract_strided_slice %convert_element_type3A_415 {offsets = [0, 448], sizes = [256, 64], strides = [1, 1]} : vector<256x1024xbf16> to vector<256x64xbf16>
    %slice3A_584 = vector.extract_strided_slice %convert_element_type3A_418 {offsets = [0, 448], sizes = [256, 64], strides = [1, 1]} : vector<256x1024xbf16> to vector<256x64xbf16>
    %slice3A_585 = vector.extract_strided_slice %convert_element_type3A_421 {offsets = [0, 448], sizes = [256, 64], strides = [1, 1]} : vector<256x1024xbf16> to vector<256x64xbf16>
    %dot_general3A_586 = arith.constant dense<0.000000e+00> : vector<256x256xf32>
    %dot_general3A_587 = tpu.matmul %slice3A_583, %slice3A_584, %dot_general3A_586 {dimension_numbers = #tpu.dot_dimension_numbers<[1], [1], [0], [0], [0, 0, 1, 0], [], []>, transpose_lhs_hint = false} : vector<256x64xbf16>, vector<256x64xbf16>, vector<256x256xf32> -> vector<256x256xf32>
    %reduce_max3A_588 = arith.constant dense<0xFF800000> : vector<256xf32>
    %reduce_max3A_589 = vector.multi_reduction <maximumf>, %dot_general3A_587, %reduce_max3A_588 [1] : vector<256x256xf32> to vector<256xf32>
    %broadcast_in_dim3A_590 = vector.shape_cast %reduce_max3A_589 : vector<256xf32> to vector<256x1xf32>
    %sub3A_591 = vector.broadcast %broadcast_in_dim3A_590 : vector<256x1xf32> to vector<256x256xf32>
    %sub3A_592 = arith.subf %dot_general3A_587, %sub3A_591 : vector<256x256xf32>
    %exp3A_593 = math.exp %sub3A_592 : vector<256x256xf32>
    %reduce_sum3A_594 = arith.constant dense<0.000000e+00> : vector<256xf32>
    %reduce_sum3A_595 = vector.multi_reduction <add>, %exp3A_593, %reduce_sum3A_594 [1] : vector<256x256xf32> to vector<256xf32>
    %broadcast_in_dim3A_596 = vector.shape_cast %reduce_sum3A_595 : vector<256xf32> to vector<256x1xf32>
    %div3A_597 = arith.constant 1.000000e+00 : f32
    %div3A_598 = vector.broadcast %div3A_597 : f32 to vector<256x1xf32>
    %div3A_599 = arith.divf %div3A_598, %broadcast_in_dim3A_596 : vector<256x1xf32>
    %convert_element_type3A_600 = arith.truncf %exp3A_593 : vector<256x256xf32> to vector<256x256xbf16>
    %dot_general3A_601 = arith.constant dense<0.000000e+00> : vector<256x64xf32>
    %dot_general3A_602 = tpu.matmul %convert_element_type3A_600, %slice3A_585, %dot_general3A_601 {dimension_numbers = #tpu.dot_dimension_numbers<[1], [0], [0], [1], [0, 0, 1, 1], [], []>, transpose_lhs_hint = false} : vector<256x256xbf16>, vector<256x64xbf16>, vector<256x64xf32> -> vector<256x64xf32>
    %mul3A_603 = vector.broadcast %div3A_599 : vector<256x1xf32> to vector<256x64xf32>
    %mul3A_604 = arith.mulf %dot_general3A_602, %mul3A_603 : vector<256x64xf32>
    %convert_element_type3A_605 = arith.truncf %mul3A_604 : vector<256x64xf32> to vector<256x64xbf16>
    %slice3A_606 = vector.extract_strided_slice %convert_element_type3A_415 {offsets = [0, 512], sizes = [256, 64], strides = [1, 1]} : vector<256x1024xbf16> to vector<256x64xbf16>
    %slice3A_607 = vector.extract_strided_slice %convert_element_type3A_418 {offsets = [0, 512], sizes = [256, 64], strides = [1, 1]} : vector<256x1024xbf16> to vector<256x64xbf16>
    %slice3A_608 = vector.extract_strided_slice %convert_element_type3A_421 {offsets = [0, 512], sizes = [256, 64], strides = [1, 1]} : vector<256x1024xbf16> to vector<256x64xbf16>
    %dot_general3A_609 = arith.constant dense<0.000000e+00> : vector<256x256xf32>
    %dot_general3A_610 = tpu.matmul %slice3A_606, %slice3A_607, %dot_general3A_609 {dimension_numbers = #tpu.dot_dimension_numbers<[1], [1], [0], [0], [0, 0, 1, 0], [], []>, transpose_lhs_hint = false} : vector<256x64xbf16>, vector<256x64xbf16>, vector<256x256xf32> -> vector<256x256xf32>
    %reduce_max3A_611 = arith.constant dense<0xFF800000> : vector<256xf32>
    %reduce_max3A_612 = vector.multi_reduction <maximumf>, %dot_general3A_610, %reduce_max3A_611 [1] : vector<256x256xf32> to vector<256xf32>
    %broadcast_in_dim3A_613 = vector.shape_cast %reduce_max3A_612 : vector<256xf32> to vector<256x1xf32>
    %sub3A_614 = vector.broadcast %broadcast_in_dim3A_613 : vector<256x1xf32> to vector<256x256xf32>
    %sub3A_615 = arith.subf %dot_general3A_610, %sub3A_614 : vector<256x256xf32>
    %exp3A_616 = math.exp %sub3A_615 : vector<256x256xf32>
    %reduce_sum3A_617 = arith.constant dense<0.000000e+00> : vector<256xf32>
    %reduce_sum3A_618 = vector.multi_reduction <add>, %exp3A_616, %reduce_sum3A_617 [1] : vector<256x256xf32> to vector<256xf32>
    %broadcast_in_dim3A_619 = vector.shape_cast %reduce_sum3A_618 : vector<256xf32> to vector<256x1xf32>
    %div3A_620 = arith.constant 1.000000e+00 : f32
    %div3A_621 = vector.broadcast %div3A_620 : f32 to vector<256x1xf32>
    %div3A_622 = arith.divf %div3A_621, %broadcast_in_dim3A_619 : vector<256x1xf32>
    %convert_element_type3A_623 = arith.truncf %exp3A_616 : vector<256x256xf32> to vector<256x256xbf16>
    %dot_general3A_624 = arith.constant dense<0.000000e+00> : vector<256x64xf32>
    %dot_general3A_625 = tpu.matmul %convert_element_type3A_623, %slice3A_608, %dot_general3A_624 {dimension_numbers = #tpu.dot_dimension_numbers<[1], [0], [0], [1], [0, 0, 1, 1], [], []>, transpose_lhs_hint = false} : vector<256x256xbf16>, vector<256x64xbf16>, vector<256x64xf32> -> vector<256x64xf32>
    %mul3A_626 = vector.broadcast %div3A_622 : vector<256x1xf32> to vector<256x64xf32>
    %mul3A_627 = arith.mulf %dot_general3A_625, %mul3A_626 : vector<256x64xf32>
    %convert_element_type3A_628 = arith.truncf %mul3A_627 : vector<256x64xf32> to vector<256x64xbf16>
    %slice3A_629 = vector.extract_strided_slice %convert_element_type3A_415 {offsets = [0, 576], sizes = [256, 64], strides = [1, 1]} : vector<256x1024xbf16> to vector<256x64xbf16>
    %slice3A_630 = vector.extract_strided_slice %convert_element_type3A_418 {offsets = [0, 576], sizes = [256, 64], strides = [1, 1]} : vector<256x1024xbf16> to vector<256x64xbf16>
    %slice3A_631 = vector.extract_strided_slice %convert_element_type3A_421 {offsets = [0, 576], sizes = [256, 64], strides = [1, 1]} : vector<256x1024xbf16> to vector<256x64xbf16>
    %dot_general3A_632 = arith.constant dense<0.000000e+00> : vector<256x256xf32>
    %dot_general3A_633 = tpu.matmul %slice3A_629, %slice3A_630, %dot_general3A_632 {dimension_numbers = #tpu.dot_dimension_numbers<[1], [1], [0], [0], [0, 0, 1, 0], [], []>, transpose_lhs_hint = false} : vector<256x64xbf16>, vector<256x64xbf16>, vector<256x256xf32> -> vector<256x256xf32>
    %reduce_max3A_634 = arith.constant dense<0xFF800000> : vector<256xf32>
    %reduce_max3A_635 = vector.multi_reduction <maximumf>, %dot_general3A_633, %reduce_max3A_634 [1] : vector<256x256xf32> to vector<256xf32>
    %broadcast_in_dim3A_636 = vector.shape_cast %reduce_max3A_635 : vector<256xf32> to vector<256x1xf32>
    %sub3A_637 = vector.broadcast %broadcast_in_dim3A_636 : vector<256x1xf32> to vector<256x256xf32>
    %sub3A_638 = arith.subf %dot_general3A_633, %sub3A_637 : vector<256x256xf32>
    %exp3A_639 = math.exp %sub3A_638 : vector<256x256xf32>
    %reduce_sum3A_640 = arith.constant dense<0.000000e+00> : vector<256xf32>
    %reduce_sum3A_641 = vector.multi_reduction <add>, %exp3A_639, %reduce_sum3A_640 [1] : vector<256x256xf32> to vector<256xf32>
    %broadcast_in_dim3A_642 = vector.shape_cast %reduce_sum3A_641 : vector<256xf32> to vector<256x1xf32>
    %div3A_643 = arith.constant 1.000000e+00 : f32
    %div3A_644 = vector.broadcast %div3A_643 : f32 to vector<256x1xf32>
    %div3A_645 = arith.divf %div3A_644, %broadcast_in_dim3A_642 : vector<256x1xf32>
    %convert_element_type3A_646 = arith.truncf %exp3A_639 : vector<256x256xf32> to vector<256x256xbf16>
    %dot_general3A_647 = arith.constant dense<0.000000e+00> : vector<256x64xf32>
    %dot_general3A_648 = tpu.matmul %convert_element_type3A_646, %slice3A_631, %dot_general3A_647 {dimension_numbers = #tpu.dot_dimension_numbers<[1], [0], [0], [1], [0, 0, 1, 1], [], []>, transpose_lhs_hint = false} : vector<256x256xbf16>, vector<256x64xbf16>, vector<256x64xf32> -> vector<256x64xf32>
    %mul3A_649 = vector.broadcast %div3A_645 : vector<256x1xf32> to vector<256x64xf32>
    %mul3A_650 = arith.mulf %dot_general3A_648, %mul3A_649 : vector<256x64xf32>
    %convert_element_type3A_651 = arith.truncf %mul3A_650 : vector<256x64xf32> to vector<256x64xbf16>
    %slice3A_652 = vector.extract_strided_slice %convert_element_type3A_415 {offsets = [0, 640], sizes = [256, 64], strides = [1, 1]} : vector<256x1024xbf16> to vector<256x64xbf16>
    %slice3A_653 = vector.extract_strided_slice %convert_element_type3A_418 {offsets = [0, 640], sizes = [256, 64], strides = [1, 1]} : vector<256x1024xbf16> to vector<256x64xbf16>
    %slice3A_654 = vector.extract_strided_slice %convert_element_type3A_421 {offsets = [0, 640], sizes = [256, 64], strides = [1, 1]} : vector<256x1024xbf16> to vector<256x64xbf16>
    %dot_general3A_655 = arith.constant dense<0.000000e+00> : vector<256x256xf32>
    %dot_general3A_656 = tpu.matmul %slice3A_652, %slice3A_653, %dot_general3A_655 {dimension_numbers = #tpu.dot_dimension_numbers<[1], [1], [0], [0], [0, 0, 1, 0], [], []>, transpose_lhs_hint = false} : vector<256x64xbf16>, vector<256x64xbf16>, vector<256x256xf32> -> vector<256x256xf32>
    %reduce_max3A_657 = arith.constant dense<0xFF800000> : vector<256xf32>
    %reduce_max3A_658 = vector.multi_reduction <maximumf>, %dot_general3A_656, %reduce_max3A_657 [1] : vector<256x256xf32> to vector<256xf32>
    %broadcast_in_dim3A_659 = vector.shape_cast %reduce_max3A_658 : vector<256xf32> to vector<256x1xf32>
    %sub3A_660 = vector.broadcast %broadcast_in_dim3A_659 : vector<256x1xf32> to vector<256x256xf32>
    %sub3A_661 = arith.subf %dot_general3A_656, %sub3A_660 : vector<256x256xf32>
    %exp3A_662 = math.exp %sub3A_661 : vector<256x256xf32>
    %reduce_sum3A_663 = arith.constant dense<0.000000e+00> : vector<256xf32>
    %reduce_sum3A_664 = vector.multi_reduction <add>, %exp3A_662, %reduce_sum3A_663 [1] : vector<256x256xf32> to vector<256xf32>
    %broadcast_in_dim3A_665 = vector.shape_cast %reduce_sum3A_664 : vector<256xf32> to vector<256x1xf32>
    %div3A_666 = arith.constant 1.000000e+00 : f32
    %div3A_667 = vector.broadcast %div3A_666 : f32 to vector<256x1xf32>
    %div3A_668 = arith.divf %div3A_667, %broadcast_in_dim3A_665 : vector<256x1xf32>
    %convert_element_type3A_669 = arith.truncf %exp3A_662 : vector<256x256xf32> to vector<256x256xbf16>
    %dot_general3A_670 = arith.constant dense<0.000000e+00> : vector<256x64xf32>
    %dot_general3A_671 = tpu.matmul %convert_element_type3A_669, %slice3A_654, %dot_general3A_670 {dimension_numbers = #tpu.dot_dimension_numbers<[1], [0], [0], [1], [0, 0, 1, 1], [], []>, transpose_lhs_hint = false} : vector<256x256xbf16>, vector<256x64xbf16>, vector<256x64xf32> -> vector<256x64xf32>
    %mul3A_672 = vector.broadcast %div3A_668 : vector<256x1xf32> to vector<256x64xf32>
    %mul3A_673 = arith.mulf %dot_general3A_671, %mul3A_672 : vector<256x64xf32>
    %convert_element_type3A_674 = arith.truncf %mul3A_673 : vector<256x64xf32> to vector<256x64xbf16>
    %slice3A_675 = vector.extract_strided_slice %convert_element_type3A_415 {offsets = [0, 704], sizes = [256, 64], strides = [1, 1]} : vector<256x1024xbf16> to vector<256x64xbf16>
    %slice3A_676 = vector.extract_strided_slice %convert_element_type3A_418 {offsets = [0, 704], sizes = [256, 64], strides = [1, 1]} : vector<256x1024xbf16> to vector<256x64xbf16>
    %slice3A_677 = vector.extract_strided_slice %convert_element_type3A_421 {offsets = [0, 704], sizes = [256, 64], strides = [1, 1]} : vector<256x1024xbf16> to vector<256x64xbf16>
    %dot_general3A_678 = arith.constant dense<0.000000e+00> : vector<256x256xf32>
    %dot_general3A_679 = tpu.matmul %slice3A_675, %slice3A_676, %dot_general3A_678 {dimension_numbers = #tpu.dot_dimension_numbers<[1], [1], [0], [0], [0, 0, 1, 0], [], []>, transpose_lhs_hint = false} : vector<256x64xbf16>, vector<256x64xbf16>, vector<256x256xf32> -> vector<256x256xf32>
    %reduce_max3A_680 = arith.constant dense<0xFF800000> : vector<256xf32>
    %reduce_max3A_681 = vector.multi_reduction <maximumf>, %dot_general3A_679, %reduce_max3A_680 [1] : vector<256x256xf32> to vector<256xf32>
    %broadcast_in_dim3A_682 = vector.shape_cast %reduce_max3A_681 : vector<256xf32> to vector<256x1xf32>
    %sub3A_683 = vector.broadcast %broadcast_in_dim3A_682 : vector<256x1xf32> to vector<256x256xf32>
    %sub3A_684 = arith.subf %dot_general3A_679, %sub3A_683 : vector<256x256xf32>
    %exp3A_685 = math.exp %sub3A_684 : vector<256x256xf32>
    %reduce_sum3A_686 = arith.constant dense<0.000000e+00> : vector<256xf32>
    %reduce_sum3A_687 = vector.multi_reduction <add>, %exp3A_685, %reduce_sum3A_686 [1] : vector<256x256xf32> to vector<256xf32>
    %broadcast_in_dim3A_688 = vector.shape_cast %reduce_sum3A_687 : vector<256xf32> to vector<256x1xf32>
    %div3A_689 = arith.constant 1.000000e+00 : f32
    %div3A_690 = vector.broadcast %div3A_689 : f32 to vector<256x1xf32>
    %div3A_691 = arith.divf %div3A_690, %broadcast_in_dim3A_688 : vector<256x1xf32>
    %convert_element_type3A_692 = arith.truncf %exp3A_685 : vector<256x256xf32> to vector<256x256xbf16>
    %dot_general3A_693 = arith.constant dense<0.000000e+00> : vector<256x64xf32>
    %dot_general3A_694 = tpu.matmul %convert_element_type3A_692, %slice3A_677, %dot_general3A_693 {dimension_numbers = #tpu.dot_dimension_numbers<[1], [0], [0], [1], [0, 0, 1, 1], [], []>, transpose_lhs_hint = false} : vector<256x256xbf16>, vector<256x64xbf16>, vector<256x64xf32> -> vector<256x64xf32>
    %mul3A_695 = vector.broadcast %div3A_691 : vector<256x1xf32> to vector<256x64xf32>
    %mul3A_696 = arith.mulf %dot_general3A_694, %mul3A_695 : vector<256x64xf32>
    %convert_element_type3A_697 = arith.truncf %mul3A_696 : vector<256x64xf32> to vector<256x64xbf16>
    %slice3A_698 = vector.extract_strided_slice %convert_element_type3A_415 {offsets = [0, 768], sizes = [256, 64], strides = [1, 1]} : vector<256x1024xbf16> to vector<256x64xbf16>
    %slice3A_699 = vector.extract_strided_slice %convert_element_type3A_418 {offsets = [0, 768], sizes = [256, 64], strides = [1, 1]} : vector<256x1024xbf16> to vector<256x64xbf16>
    %slice3A_700 = vector.extract_strided_slice %convert_element_type3A_421 {offsets = [0, 768], sizes = [256, 64], strides = [1, 1]} : vector<256x1024xbf16> to vector<256x64xbf16>
    %dot_general3A_701 = arith.constant dense<0.000000e+00> : vector<256x256xf32>
    %dot_general3A_702 = tpu.matmul %slice3A_698, %slice3A_699, %dot_general3A_701 {dimension_numbers = #tpu.dot_dimension_numbers<[1], [1], [0], [0], [0, 0, 1, 0], [], []>, transpose_lhs_hint = false} : vector<256x64xbf16>, vector<256x64xbf16>, vector<256x256xf32> -> vector<256x256xf32>
    %reduce_max3A_703 = arith.constant dense<0xFF800000> : vector<256xf32>
    %reduce_max3A_704 = vector.multi_reduction <maximumf>, %dot_general3A_702, %reduce_max3A_703 [1] : vector<256x256xf32> to vector<256xf32>
    %broadcast_in_dim3A_705 = vector.shape_cast %reduce_max3A_704 : vector<256xf32> to vector<256x1xf32>
    %sub3A_706 = vector.broadcast %broadcast_in_dim3A_705 : vector<256x1xf32> to vector<256x256xf32>
    %sub3A_707 = arith.subf %dot_general3A_702, %sub3A_706 : vector<256x256xf32>
    %exp3A_708 = math.exp %sub3A_707 : vector<256x256xf32>
    %reduce_sum3A_709 = arith.constant dense<0.000000e+00> : vector<256xf32>
    %reduce_sum3A_710 = vector.multi_reduction <add>, %exp3A_708, %reduce_sum3A_709 [1] : vector<256x256xf32> to vector<256xf32>
    %broadcast_in_dim3A_711 = vector.shape_cast %reduce_sum3A_710 : vector<256xf32> to vector<256x1xf32>
    %div3A_712 = arith.constant 1.000000e+00 : f32
    %div3A_713 = vector.broadcast %div3A_712 : f32 to vector<256x1xf32>
    %div3A_714 = arith.divf %div3A_713, %broadcast_in_dim3A_711 : vector<256x1xf32>
    %convert_element_type3A_715 = arith.truncf %exp3A_708 : vector<256x256xf32> to vector<256x256xbf16>
    %dot_general3A_716 = arith.constant dense<0.000000e+00> : vector<256x64xf32>
    %dot_general3A_717 = tpu.matmul %convert_element_type3A_715, %slice3A_700, %dot_general3A_716 {dimension_numbers = #tpu.dot_dimension_numbers<[1], [0], [0], [1], [0, 0, 1, 1], [], []>, transpose_lhs_hint = false} : vector<256x256xbf16>, vector<256x64xbf16>, vector<256x64xf32> -> vector<256x64xf32>
    %mul3A_718 = vector.broadcast %div3A_714 : vector<256x1xf32> to vector<256x64xf32>
    %mul3A_719 = arith.mulf %dot_general3A_717, %mul3A_718 : vector<256x64xf32>
    %convert_element_type3A_720 = arith.truncf %mul3A_719 : vector<256x64xf32> to vector<256x64xbf16>
    %slice3A_721 = vector.extract_strided_slice %convert_element_type3A_415 {offsets = [0, 832], sizes = [256, 64], strides = [1, 1]} : vector<256x1024xbf16> to vector<256x64xbf16>
    %slice3A_722 = vector.extract_strided_slice %convert_element_type3A_418 {offsets = [0, 832], sizes = [256, 64], strides = [1, 1]} : vector<256x1024xbf16> to vector<256x64xbf16>
    %slice3A_723 = vector.extract_strided_slice %convert_element_type3A_421 {offsets = [0, 832], sizes = [256, 64], strides = [1, 1]} : vector<256x1024xbf16> to vector<256x64xbf16>
    %dot_general3A_724 = arith.constant dense<0.000000e+00> : vector<256x256xf32>
    %dot_general3A_725 = tpu.matmul %slice3A_721, %slice3A_722, %dot_general3A_724 {dimension_numbers = #tpu.dot_dimension_numbers<[1], [1], [0], [0], [0, 0, 1, 0], [], []>, transpose_lhs_hint = false} : vector<256x64xbf16>, vector<256x64xbf16>, vector<256x256xf32> -> vector<256x256xf32>
    %reduce_max3A_726 = arith.constant dense<0xFF800000> : vector<256xf32>
    %reduce_max3A_727 = vector.multi_reduction <maximumf>, %dot_general3A_725, %reduce_max3A_726 [1] : vector<256x256xf32> to vector<256xf32>
    %broadcast_in_dim3A_728 = vector.shape_cast %reduce_max3A_727 : vector<256xf32> to vector<256x1xf32>
    %sub3A_729 = vector.broadcast %broadcast_in_dim3A_728 : vector<256x1xf32> to vector<256x256xf32>
    %sub3A_730 = arith.subf %dot_general3A_725, %sub3A_729 : vector<256x256xf32>
    %exp3A_731 = math.exp %sub3A_730 : vector<256x256xf32>
    %reduce_sum3A_732 = arith.constant dense<0.000000e+00> : vector<256xf32>
    %reduce_sum3A_733 = vector.multi_reduction <add>, %exp3A_731, %reduce_sum3A_732 [1] : vector<256x256xf32> to vector<256xf32>
    %broadcast_in_dim3A_734 = vector.shape_cast %reduce_sum3A_733 : vector<256xf32> to vector<256x1xf32>
    %div3A_735 = arith.constant 1.000000e+00 : f32
    %div3A_736 = vector.broadcast %div3A_735 : f32 to vector<256x1xf32>
    %div3A_737 = arith.divf %div3A_736, %broadcast_in_dim3A_734 : vector<256x1xf32>
    %convert_element_type3A_738 = arith.truncf %exp3A_731 : vector<256x256xf32> to vector<256x256xbf16>
    %dot_general3A_739 = arith.constant dense<0.000000e+00> : vector<256x64xf32>
    %dot_general3A_740 = tpu.matmul %convert_element_type3A_738, %slice3A_723, %dot_general3A_739 {dimension_numbers = #tpu.dot_dimension_numbers<[1], [0], [0], [1], [0, 0, 1, 1], [], []>, transpose_lhs_hint = false} : vector<256x256xbf16>, vector<256x64xbf16>, vector<256x64xf32> -> vector<256x64xf32>
    %mul3A_741 = vector.broadcast %div3A_737 : vector<256x1xf32> to vector<256x64xf32>
    %mul3A_742 = arith.mulf %dot_general3A_740, %mul3A_741 : vector<256x64xf32>
    %convert_element_type3A_743 = arith.truncf %mul3A_742 : vector<256x64xf32> to vector<256x64xbf16>
    %slice3A_744 = vector.extract_strided_slice %convert_element_type3A_415 {offsets = [0, 896], sizes = [256, 64], strides = [1, 1]} : vector<256x1024xbf16> to vector<256x64xbf16>
    %slice3A_745 = vector.extract_strided_slice %convert_element_type3A_418 {offsets = [0, 896], sizes = [256, 64], strides = [1, 1]} : vector<256x1024xbf16> to vector<256x64xbf16>
    %slice3A_746 = vector.extract_strided_slice %convert_element_type3A_421 {offsets = [0, 896], sizes = [256, 64], strides = [1, 1]} : vector<256x1024xbf16> to vector<256x64xbf16>
    %dot_general3A_747 = arith.constant dense<0.000000e+00> : vector<256x256xf32>
    %dot_general3A_748 = tpu.matmul %slice3A_744, %slice3A_745, %dot_general3A_747 {dimension_numbers = #tpu.dot_dimension_numbers<[1], [1], [0], [0], [0, 0, 1, 0], [], []>, transpose_lhs_hint = false} : vector<256x64xbf16>, vector<256x64xbf16>, vector<256x256xf32> -> vector<256x256xf32>
    %reduce_max3A_749 = arith.constant dense<0xFF800000> : vector<256xf32>
    %reduce_max3A_750 = vector.multi_reduction <maximumf>, %dot_general3A_748, %reduce_max3A_749 [1] : vector<256x256xf32> to vector<256xf32>
    %broadcast_in_dim3A_751 = vector.shape_cast %reduce_max3A_750 : vector<256xf32> to vector<256x1xf32>
    %sub3A_752 = vector.broadcast %broadcast_in_dim3A_751 : vector<256x1xf32> to vector<256x256xf32>
    %sub3A_753 = arith.subf %dot_general3A_748, %sub3A_752 : vector<256x256xf32>
    %exp3A_754 = math.exp %sub3A_753 : vector<256x256xf32>
    %reduce_sum3A_755 = arith.constant dense<0.000000e+00> : vector<256xf32>
    %reduce_sum3A_756 = vector.multi_reduction <add>, %exp3A_754, %reduce_sum3A_755 [1] : vector<256x256xf32> to vector<256xf32>
    %broadcast_in_dim3A_757 = vector.shape_cast %reduce_sum3A_756 : vector<256xf32> to vector<256x1xf32>
    %div3A_758 = arith.constant 1.000000e+00 : f32
    %div3A_759 = vector.broadcast %div3A_758 : f32 to vector<256x1xf32>
    %div3A_760 = arith.divf %div3A_759, %broadcast_in_dim3A_757 : vector<256x1xf32>
    %convert_element_type3A_761 = arith.truncf %exp3A_754 : vector<256x256xf32> to vector<256x256xbf16>
    %dot_general3A_762 = arith.constant dense<0.000000e+00> : vector<256x64xf32>
    %dot_general3A_763 = tpu.matmul %convert_element_type3A_761, %slice3A_746, %dot_general3A_762 {dimension_numbers = #tpu.dot_dimension_numbers<[1], [0], [0], [1], [0, 0, 1, 1], [], []>, transpose_lhs_hint = false} : vector<256x256xbf16>, vector<256x64xbf16>, vector<256x64xf32> -> vector<256x64xf32>
    %mul3A_764 = vector.broadcast %div3A_760 : vector<256x1xf32> to vector<256x64xf32>
    %mul3A_765 = arith.mulf %dot_general3A_763, %mul3A_764 : vector<256x64xf32>
    %convert_element_type3A_766 = arith.truncf %mul3A_765 : vector<256x64xf32> to vector<256x64xbf16>
    %slice3A_767 = vector.extract_strided_slice %convert_element_type3A_415 {offsets = [0, 960], sizes = [256, 64], strides = [1, 1]} : vector<256x1024xbf16> to vector<256x64xbf16>
    %slice3A_768 = vector.extract_strided_slice %convert_element_type3A_418 {offsets = [0, 960], sizes = [256, 64], strides = [1, 1]} : vector<256x1024xbf16> to vector<256x64xbf16>
    %slice3A_769 = vector.extract_strided_slice %convert_element_type3A_421 {offsets = [0, 960], sizes = [256, 64], strides = [1, 1]} : vector<256x1024xbf16> to vector<256x64xbf16>
    %dot_general3A_770 = arith.constant dense<0.000000e+00> : vector<256x256xf32>
    %dot_general3A_771 = tpu.matmul %slice3A_767, %slice3A_768, %dot_general3A_770 {dimension_numbers = #tpu.dot_dimension_numbers<[1], [1], [0], [0], [0, 0, 1, 0], [], []>, transpose_lhs_hint = false} : vector<256x64xbf16>, vector<256x64xbf16>, vector<256x256xf32> -> vector<256x256xf32>
    %reduce_max3A_772 = arith.constant dense<0xFF800000> : vector<256xf32>
    %reduce_max3A_773 = vector.multi_reduction <maximumf>, %dot_general3A_771, %reduce_max3A_772 [1] : vector<256x256xf32> to vector<256xf32>
    %broadcast_in_dim3A_774 = vector.shape_cast %reduce_max3A_773 : vector<256xf32> to vector<256x1xf32>
    %sub3A_775 = vector.broadcast %broadcast_in_dim3A_774 : vector<256x1xf32> to vector<256x256xf32>
    %sub3A_776 = arith.subf %dot_general3A_771, %sub3A_775 : vector<256x256xf32>
    %exp3A_777 = math.exp %sub3A_776 : vector<256x256xf32>
    %reduce_sum3A_778 = arith.constant dense<0.000000e+00> : vector<256xf32>
    %reduce_sum3A_779 = vector.multi_reduction <add>, %exp3A_777, %reduce_sum3A_778 [1] : vector<256x256xf32> to vector<256xf32>
    %broadcast_in_dim3A_780 = vector.shape_cast %reduce_sum3A_779 : vector<256xf32> to vector<256x1xf32>
    %div3A_781 = arith.constant 1.000000e+00 : f32
    %div3A_782 = vector.broadcast %div3A_781 : f32 to vector<256x1xf32>
    %div3A_783 = arith.divf %div3A_782, %broadcast_in_dim3A_780 : vector<256x1xf32>
    %convert_element_type3A_784 = arith.truncf %exp3A_777 : vector<256x256xf32> to vector<256x256xbf16>
    %dot_general3A_785 = arith.constant dense<0.000000e+00> : vector<256x64xf32>
    %dot_general3A_786 = tpu.matmul %convert_element_type3A_784, %slice3A_769, %dot_general3A_785 {dimension_numbers = #tpu.dot_dimension_numbers<[1], [0], [0], [1], [0, 0, 1, 1], [], []>, transpose_lhs_hint = false} : vector<256x256xbf16>, vector<256x64xbf16>, vector<256x64xf32> -> vector<256x64xf32>
    %mul3A_787 = vector.broadcast %div3A_783 : vector<256x1xf32> to vector<256x64xf32>
    %mul3A_788 = arith.mulf %dot_general3A_786, %mul3A_787 : vector<256x64xf32>
    %convert_element_type3A_789 = arith.truncf %mul3A_788 : vector<256x64xf32> to vector<256x64xbf16>
    %concatenate3A_790 = tpu.concatenate %convert_element_type3A_444, %convert_element_type3A_467, %convert_element_type3A_490, %convert_element_type3A_513, %convert_element_type3A_536, %convert_element_type3A_559, %convert_element_type3A_582, %convert_element_type3A_605, %convert_element_type3A_628, %convert_element_type3A_651, %convert_element_type3A_674, %convert_element_type3A_697, %convert_element_type3A_720, %convert_element_type3A_743, %convert_element_type3A_766, %convert_element_type3A_789 in 1 : vector<256x64xbf16>, vector<256x64xbf16>, vector<256x64xbf16>, vector<256x64xbf16>, vector<256x64xbf16>, vector<256x64xbf16>, vector<256x64xbf16>, vector<256x64xbf16>, vector<256x64xbf16>, vector<256x64xbf16>, vector<256x64xbf16>, vector<256x64xbf16>, vector<256x64xbf16>, vector<256x64xbf16>, vector<256x64xbf16>, vector<256x64xbf16> -> vector<256x1024xbf16>
    %concatenate3A_791 = tpu.concatenate %concatenate3A, %concatenate3A_790 in 0 : vector<256x1024xbf16>, vector<256x1024xbf16> -> vector<512x1024xbf16>
    %get3A_792 = arith.constant 3072 : index
    %get3A_793 = arith.constant 0 : index
    %get3A_794 = vector.load %arg4[%get3A_792, %get3A_793] : memref<4096x1024xbf16, #tpu.memory_space<vmem>>, vector<1024x1024xbf16>
    %dot_general3A_795 = arith.constant dense<0.000000e+00> : vector<512x1024xf32>
    %dot_general3A_796 = tpu.matmul %concatenate3A_791, %get3A_794, %dot_general3A_795 {dimension_numbers = #tpu.dot_dimension_numbers<[1], [1], [0], [0], [0, 0, 1, 0], [], []>, transpose_lhs_hint = false} : vector<512x1024xbf16>, vector<1024x1024xbf16>, vector<512x1024xf32> -> vector<512x1024xf32>
    %get3A_797 = arith.constant 0 : index
    %get3A_798 = arith.constant 0 : index
    %get3A_799 = vector.load %arg8[%get3A_797, %get3A_798] : memref<1x1024xf32, #tpu.memory_space<vmem>>, vector<1x1024xf32>
    %add3A_800 = vector.broadcast %get3A_799 : vector<1x1024xf32> to vector<512x1024xf32>
    %add3A_801 = arith.addf %dot_general3A_796, %add3A_800 : vector<512x1024xf32>
    %slice3A_802 = vector.extract_strided_slice %add3A_801 {offsets = [0, 0], sizes = [256, 1024], strides = [1, 1]} : vector<512x1024xf32> to vector<256x1024xf32>
    %slice3A_803 = vector.extract_strided_slice %add3A_801 {offsets = [256, 0], sizes = [256, 1024], strides = [1, 1]} : vector<512x1024xf32> to vector<256x1024xf32>
    %stack3A = vector.shape_cast %slice3A_802 : vector<256x1024xf32> to vector<256x1x1024xf32>
    %stack3A_804 = vector.shape_cast %slice3A_803 : vector<256x1024xf32> to vector<256x1x1024xf32>
    %stack3A_805 = tpu.concatenate %stack3A, %stack3A_804 in 1 : vector<256x1x1024xf32>, vector<256x1x1024xf32> -> vector<256x2x1024xf32>
    %swap3A = arith.constant 0 : index
    %swap3A_806 = arith.constant 0 : index
    %swap3A_807 = arith.constant 0 : index
    %swap3A_808 = vector.load %arg9[%swap3A, %swap3A_806, %swap3A_807] : memref<256x2x1024xf32, #tpu.memory_space<vmem>>, vector<256x2x1024xf32>
    tpu.vector_store %arg9[%swap3A, %swap3A_806, %swap3A_807], %stack3A_805 {strides = array<i32>} : memref<256x2x1024xf32, #tpu.memory_space<vmem>>, vector<256x2x1024xf32>,
    return
  }
  func.func @transform_0(%arg0: i32, %arg1: memref<16x2xi32, #tpu.memory_space<smem>>) -> (i32, i32) {
    %get3A = arith.index_cast %arg0 : i32 to index
    %get3A_0 = arith.constant 0 : index
    %get3A_1 = memref.load %arg1[%get3A, %get3A_0] : memref<16x2xi32, #tpu.memory_space<smem>>
    %c0_i32 = arith.constant 0 : i32
    %c0_i32_2 = arith.constant 0 : i32
    return %get3A_1, %c0_i32 : i32, i32
  }
  func.func @transform_1(%arg0: i32, %arg1: memref<16x2xi32, #tpu.memory_space<smem>>) -> (i32, i32) {
    %get3A = arith.index_cast %arg0 : i32 to index
    %get3A_0 = arith.constant 1 : index
    %get3A_1 = memref.load %arg1[%get3A, %get3A_0] : memref<16x2xi32, #tpu.memory_space<smem>>
    %c1_i32 = arith.constant 1 : i32
    %c0_i32 = arith.constant 0 : i32
    return %get3A_1, %c1_i32 : i32, i32
  }
  func.func @transform_2(%arg0: i32, %arg1: memref<16x2xi32, #tpu.memory_space<smem>>) -> (i32, i32) {
    %c0_i32 = arith.constant 0 : i32
    %c0_i32_0 = arith.constant 0 : i32
    %c0_i32_1 = arith.constant 0 : i32
    return %c0_i32, %c0_i32_0 : i32, i32
  }
  func.func @transform_3(%arg0: i32, %arg1: memref<16x2xi32, #tpu.memory_space<smem>>) -> (i32, i32) {
    %c0_i32 = arith.constant 0 : i32
    %c0_i32_0 = arith.constant 0 : i32
    %c0_i32_1 = arith.constant 0 : i32
    return %c0_i32, %c0_i32_0 : i32, i32
  }
  func.func @transform_4(%arg0: i32, %arg1: memref<16x2xi32, #tpu.memory_space<smem>>) -> (i32, i32) {
    %c0_i32 = arith.constant 0 : i32
    %c0_i32_0 = arith.constant 0 : i32
    %c0_i32_1 = arith.constant 0 : i32
    return %c0_i32, %c0_i32_0 : i32, i32
  }
  func.func @transform_5(%arg0: i32, %arg1: memref<16x2xi32, #tpu.memory_space<smem>>) -> (i32, i32) {
    %c0_i32 = arith.constant 0 : i32
    %c0_i32_0 = arith.constant 0 : i32
    %c0_i32_1 = arith.constant 0 : i32
    return %c0_i32, %c0_i32_0 : i32, i32
  }
  func.func @transform_6(%arg0: i32, %arg1: memref<16x2xi32, #tpu.memory_space<smem>>) -> (i32, i32) {
    %c0_i32 = arith.constant 0 : i32
    %c0_i32_0 = arith.constant 0 : i32
    %c0_i32_1 = arith.constant 0 : i32
    return %c0_i32, %c0_i32_0 : i32, i32
  }
  func.func @transform_7(%arg0: i32, %arg1: memref<16x2xi32, #tpu.memory_space<smem>>) -> (i32, i32, i32) {
    %c0_i32 = arith.constant 0 : i32
    %c0_i32_0 = arith.constant 0 : i32
    %c0_i32_1 = arith.constant 0 : i32
    return %arg0, %c0_i32, %c0_i32_0 : i32, i32, i32
  }
}

module attributes {stable_mosaic.version = 14 : i64} {
  func.func @_perm_kernel(%arg0: i32, %arg1: memref<256x2048xf32, #tpu.memory_space<vmem>>, %arg2: memref<1024x1024xf32, #tpu.memory_space<vmem>>, %arg3: memref<1x1024xf32, #tpu.memory_space<vmem>>, %arg4: memref<1024x1024xf32, #tpu.memory_space<vmem>>, %arg5: memref<1x1024xf32, #tpu.memory_space<vmem>>, %arg6: memref<1024x1024xf32, #tpu.memory_space<vmem>>, %arg7: memref<1024x1024xf32, #tpu.memory_space<vmem>>, %arg8: memref<16x2xi32, #tpu.memory_space<vmem>>, %arg9: memref<256x2048xbf16, #tpu.memory_space<vmem>>, %arg10: memref<4096x1024xbf16, #tpu.memory_space<vmem>>, %arg11: memref<16x2048xf32, #tpu.memory_space<vmem>>) attributes {dimension_semantics = [#tpu.dimension_semantics<arbitrary>], iteration_bounds = array<i64: 16>, scalar_prefetch = 0 : i64, scratch_operands = 1 : i64, tpu.core_type = #tpu.core_type<tc>, window_params = [{transform_indices = @transform_0, window_bounds = array<i64: 256, 2048>}, {pipeline_mode = #tpu.pipeline_mode<synchronous>, transform_indices = @transform_1, window_bounds = array<i64: 1024, 1024>}, {pipeline_mode = #tpu.pipeline_mode<synchronous>, transform_indices = @transform_2, window_bounds = array<i64: 1, 1024>}, {pipeline_mode = #tpu.pipeline_mode<synchronous>, transform_indices = @transform_3, window_bounds = array<i64: 1024, 1024>}, {pipeline_mode = #tpu.pipeline_mode<synchronous>, transform_indices = @transform_4, window_bounds = array<i64: 1, 1024>}, {pipeline_mode = #tpu.pipeline_mode<synchronous>, transform_indices = @transform_5, window_bounds = array<i64: 1024, 1024>}, {pipeline_mode = #tpu.pipeline_mode<synchronous>, transform_indices = @transform_6, window_bounds = array<i64: 1024, 1024>}, {pipeline_mode = #tpu.pipeline_mode<synchronous>, transform_indices = @transform_7, window_bounds = array<i64: 16, 2>}, {transform_indices = @transform_8, window_bounds = array<i64: 256, 2048>}, {pipeline_mode = #tpu.pipeline_mode<synchronous>, transform_indices = @transform_9, window_bounds = array<i64: 4096, 1024>}]} {
    %get3A = arith.constant 0 : index
    %get3A_0 = arith.constant 0 : index
    %get3A_1 = vector.load %arg1[%get3A, %get3A_0] : memref<256x2048xf32, #tpu.memory_space<vmem>>, vector<256x2048xf32>
    %reduce_sum3A = arith.constant dense<0.000000e+00> : vector<2048xf32>
    %reduce_sum3A_2 = vector.multi_reduction <add>, %get3A_1, %reduce_sum3A [0] : vector<256x2048xf32> to vector<2048xf32>
    %broadcast_in_dim3A = vector.shape_cast %reduce_sum3A_2 : vector<2048xf32> to vector<1x2048xf32>
    %div3A = arith.constant 2.560000e+02 : f32
    %div3A_3 = vector.broadcast %div3A : f32 to vector<1x2048xf32>
    %div3A_4 = arith.divf %broadcast_in_dim3A, %div3A_3 : vector<1x2048xf32>
    %swap3A = arith.index_cast %arg0 : i32 to index
    %swap3A_5 = arith.constant 0 : index
    %swap3A_6 = vector.load %arg11[%swap3A, %swap3A_5] : memref<16x2048xf32, #tpu.memory_space<vmem>>, vector<1x2048xf32>
    tpu.vector_store %arg11[%swap3A, %swap3A_5], %div3A_4 {strides = array<i32>} : memref<16x2048xf32, #tpu.memory_space<vmem>>, vector<1x2048xf32>,
    %get3A_7 = arith.constant 0 : index
    %get3A_8 = arith.constant 0 : index
    %get3A_9 = vector.load %arg1[%get3A_7, %get3A_8] : memref<256x2048xf32, #tpu.memory_space<vmem>>, vector<256x2048xf32>
    %convert_element_type3A = arith.truncf %get3A_9 : vector<256x2048xf32> to vector<256x2048xbf16>
    %swap3A_10 = arith.constant 0 : index
    %swap3A_11 = arith.constant 0 : index
    %swap3A_12 = vector.load %arg9[%swap3A_10, %swap3A_11] : memref<256x2048xbf16, #tpu.memory_space<vmem>>, vector<256x2048xbf16>
    tpu.vector_store %arg9[%swap3A_10, %swap3A_11], %convert_element_type3A {strides = array<i32>} : memref<256x2048xbf16, #tpu.memory_space<vmem>>, vector<256x2048xbf16>,
    %eq3A = arith.constant 0 : i32
    %eq3A_13 = arith.cmpi eq, %arg0, %eq3A : i32
    %convert_element_type3A_14 = arith.extui %eq3A_13 : i1 to i32
    %cond3A = arith.constant 0 : i32
    %cond3A_15 = arith.cmpi ne, %convert_element_type3A_14, %cond3A : i32
    scf.if %cond3A_15 {
      %get3A_21 = arith.constant 0 : index
      %get3A_22 = arith.constant 0 : index
      %get3A_23 = vector.load %arg2[%get3A_21, %get3A_22] : memref<1024x1024xf32, #tpu.memory_space<vmem>>, vector<1024x1024xf32>
      %mul3A = arith.constant 1.250000e-01 : f32
      %mul3A_24 = vector.broadcast %mul3A : f32 to vector<1024x1024xf32>
      %mul3A_25 = arith.mulf %get3A_23, %mul3A_24 : vector<1024x1024xf32>
      %convert_element_type3A_26 = arith.truncf %mul3A_25 : vector<1024x1024xf32> to vector<1024x1024xbf16>
      %swap3A_27 = arith.constant 0 : index
      %swap3A_28 = arith.constant 0 : index
      %swap3A_29 = vector.load %arg10[%swap3A_27, %swap3A_28] : memref<4096x1024xbf16, #tpu.memory_space<vmem>>, vector<1024x1024xbf16>
      tpu.vector_store %arg10[%swap3A_27, %swap3A_28], %convert_element_type3A_26 {strides = array<i32>} : memref<4096x1024xbf16, #tpu.memory_space<vmem>>, vector<1024x1024xbf16>,
      %get3A_30 = arith.constant 0 : index
      %get3A_31 = arith.constant 0 : index
      %get3A_32 = vector.load %arg4[%get3A_30, %get3A_31] : memref<1024x1024xf32, #tpu.memory_space<vmem>>, vector<1024x1024xf32>
      %convert_element_type3A_33 = arith.truncf %get3A_32 : vector<1024x1024xf32> to vector<1024x1024xbf16>
      %swap3A_34 = arith.constant 1024 : index
      %swap3A_35 = arith.constant 0 : index
      %swap3A_36 = vector.load %arg10[%swap3A_34, %swap3A_35] : memref<4096x1024xbf16, #tpu.memory_space<vmem>>, vector<1024x1024xbf16>
      tpu.vector_store %arg10[%swap3A_34, %swap3A_35], %convert_element_type3A_33 {strides = array<i32>} : memref<4096x1024xbf16, #tpu.memory_space<vmem>>, vector<1024x1024xbf16>,
      %get3A_37 = arith.constant 0 : index
      %get3A_38 = arith.constant 0 : index
      %get3A_39 = vector.load %arg6[%get3A_37, %get3A_38] : memref<1024x1024xf32, #tpu.memory_space<vmem>>, vector<1024x1024xf32>
      %convert_element_type3A_40 = arith.truncf %get3A_39 : vector<1024x1024xf32> to vector<1024x1024xbf16>
      %swap3A_41 = arith.constant 2048 : index
      %swap3A_42 = arith.constant 0 : index
      %swap3A_43 = vector.load %arg10[%swap3A_41, %swap3A_42] : memref<4096x1024xbf16, #tpu.memory_space<vmem>>, vector<1024x1024xbf16>
      tpu.vector_store %arg10[%swap3A_41, %swap3A_42], %convert_element_type3A_40 {strides = array<i32>} : memref<4096x1024xbf16, #tpu.memory_space<vmem>>, vector<1024x1024xbf16>,
      %get3A_44 = arith.constant 0 : index
      %get3A_45 = arith.constant 0 : index
      %get3A_46 = vector.load %arg7[%get3A_44, %get3A_45] : memref<1024x1024xf32, #tpu.memory_space<vmem>>, vector<1024x1024xf32>
      %convert_element_type3A_47 = arith.truncf %get3A_46 : vector<1024x1024xf32> to vector<1024x1024xbf16>
      %swap3A_48 = arith.constant 3072 : index
      %swap3A_49 = arith.constant 0 : index
      %swap3A_50 = vector.load %arg10[%swap3A_48, %swap3A_49] : memref<4096x1024xbf16, #tpu.memory_space<vmem>>, vector<1024x1024xbf16>
      tpu.vector_store %arg10[%swap3A_48, %swap3A_49], %convert_element_type3A_47 {strides = array<i32>} : memref<4096x1024xbf16, #tpu.memory_space<vmem>>, vector<1024x1024xbf16>,
    } else {
    }
    %eq3A_16 = arith.constant 15 : i32
    %eq3A_17 = arith.cmpi eq, %arg0, %eq3A_16 : i32
    %convert_element_type3A_18 = arith.extui %eq3A_17 : i1 to i32
    %cond3A_19 = arith.constant 0 : i32
    %cond3A_20 = arith.cmpi ne, %convert_element_type3A_18, %cond3A_19 : i32
    scf.if %cond3A_20 {
      %get3A_21 = arith.constant 0 : index
      %get3A_22 = arith.constant 0 : index
      %get3A_23 = vector.load %arg11[%get3A_21, %get3A_22] : memref<16x2048xf32, #tpu.memory_space<vmem>>, vector<16x1024xf32>
      %get3A_24 = arith.constant 0 : index
      %get3A_25 = arith.constant 0 : index
      %get3A_26 = vector.load %arg2[%get3A_24, %get3A_25] : memref<1024x1024xf32, #tpu.memory_space<vmem>>, vector<1024x1024xf32>
      %dot_general3A = arith.constant dense<0.000000e+00> : vector<16x1024xf32>
      %dot_general3A_27 = tpu.matmul %get3A_23, %get3A_26, %dot_general3A {dimension_numbers = #tpu.dot_dimension_numbers<[1], [1], [0], [0], [0, 0, 1, 0], [], []>, transpose_lhs_hint = false} : vector<16x1024xf32>, vector<1024x1024xf32>, vector<16x1024xf32> -> vector<16x1024xf32>
      %get3A_28 = arith.constant 0 : index
      %get3A_29 = arith.constant 0 : index
      %get3A_30 = vector.load %arg3[%get3A_28, %get3A_29] : memref<1x1024xf32, #tpu.memory_space<vmem>>, vector<1x1024xf32>
      %add3A = vector.broadcast %get3A_30 : vector<1x1024xf32> to vector<16x1024xf32>
      %add3A_31 = arith.addf %dot_general3A_27, %add3A : vector<16x1024xf32>
      %get3A_32 = arith.constant 0 : index
      %get3A_33 = arith.constant 0 : index
      %get3A_34 = vector.load %arg4[%get3A_32, %get3A_33] : memref<1024x1024xf32, #tpu.memory_space<vmem>>, vector<1024x1024xf32>
      %dot_general3A_35 = arith.constant dense<0.000000e+00> : vector<16x1024xf32>
      %dot_general3A_36 = tpu.matmul %get3A_23, %get3A_34, %dot_general3A_35 {dimension_numbers = #tpu.dot_dimension_numbers<[1], [1], [0], [0], [0, 0, 1, 0], [], []>, transpose_lhs_hint = false} : vector<16x1024xf32>, vector<1024x1024xf32>, vector<16x1024xf32> -> vector<16x1024xf32>
      %get3A_37 = arith.constant 0 : index
      %get3A_38 = arith.constant 0 : index
      %get3A_39 = vector.load %arg5[%get3A_37, %get3A_38] : memref<1x1024xf32, #tpu.memory_space<vmem>>, vector<1x1024xf32>
      %add3A_40 = vector.broadcast %get3A_39 : vector<1x1024xf32> to vector<16x1024xf32>
      %add3A_41 = arith.addf %dot_general3A_36, %add3A_40 : vector<16x1024xf32>
      %dot_general3A_42 = arith.constant dense<0.000000e+00> : vector<16x16xf32>
      %dot_general3A_43 = tpu.matmul %add3A_31, %add3A_41, %dot_general3A_42 {dimension_numbers = #tpu.dot_dimension_numbers<[1], [1], [0], [0], [0, 0, 1, 0], [], []>, transpose_lhs_hint = false} : vector<16x1024xf32>, vector<16x1024xf32>, vector<16x16xf32> -> vector<16x16xf32>
      %mul3A = arith.constant 3.125000e-02 : f32
      %mul3A_44 = vector.broadcast %mul3A : f32 to vector<16x16xf32>
      %mul3A_45 = arith.mulf %dot_general3A_43, %mul3A_44 : vector<16x16xf32>
      %reduce_max3A = arith.constant dense<0xFF800000> : vector<16xf32>
      %reduce_max3A_46 = vector.multi_reduction <maximumf>, %mul3A_45, %reduce_max3A [1] : vector<16x16xf32> to vector<16xf32>
      %broadcast_in_dim3A_47 = vector.shape_cast %reduce_max3A_46 : vector<16xf32> to vector<16x1xf32>
      %sub3A = vector.broadcast %broadcast_in_dim3A_47 : vector<16x1xf32> to vector<16x16xf32>
      %sub3A_48 = arith.subf %mul3A_45, %sub3A : vector<16x16xf32>
      %exp3A = math.exp %sub3A_48 : vector<16x16xf32>
      %reduce_sum3A_49 = arith.constant dense<0.000000e+00> : vector<16xf32>
      %reduce_sum3A_50 = vector.multi_reduction <add>, %exp3A, %reduce_sum3A_49 [1] : vector<16x16xf32> to vector<16xf32>
      %broadcast_in_dim3A_51 = vector.shape_cast %reduce_sum3A_50 : vector<16xf32> to vector<16x1xf32>
      %log3A = math.log %broadcast_in_dim3A_51 : vector<16x1xf32>
      %add3A_52 = arith.addf %broadcast_in_dim3A_47, %log3A : vector<16x1xf32>
      %sub3A_53 = vector.broadcast %add3A_52 : vector<16x1xf32> to vector<16x16xf32>
      %sub3A_54 = arith.subf %mul3A_45, %sub3A_53 : vector<16x16xf32>
      %reduce_max3A_55 = arith.constant dense<0xFF800000> : vector<16xf32>
      %reduce_max3A_56 = vector.multi_reduction <maximumf>, %sub3A_54, %reduce_max3A_55 [0] : vector<16x16xf32> to vector<16xf32>
      %broadcast_in_dim3A_57 = vector.shape_cast %reduce_max3A_56 : vector<16xf32> to vector<1x16xf32>
      %sub3A_58 = vector.broadcast %broadcast_in_dim3A_57 : vector<1x16xf32> to vector<16x16xf32>
      %sub3A_59 = arith.subf %sub3A_54, %sub3A_58 : vector<16x16xf32>
      %exp3A_60 = math.exp %sub3A_59 : vector<16x16xf32>
      %reduce_sum3A_61 = arith.constant dense<0.000000e+00> : vector<16xf32>
      %reduce_sum3A_62 = vector.multi_reduction <add>, %exp3A_60, %reduce_sum3A_61 [0] : vector<16x16xf32> to vector<16xf32>
      %broadcast_in_dim3A_63 = vector.shape_cast %reduce_sum3A_62 : vector<16xf32> to vector<1x16xf32>
      %log3A_64 = math.log %broadcast_in_dim3A_63 : vector<1x16xf32>
      %add3A_65 = arith.addf %broadcast_in_dim3A_57, %log3A_64 : vector<1x16xf32>
      %sub3A_66 = vector.broadcast %add3A_65 : vector<1x16xf32> to vector<16x16xf32>
      %sub3A_67 = arith.subf %sub3A_54, %sub3A_66 : vector<16x16xf32>
      %reduce_max3A_68 = arith.constant dense<0xFF800000> : vector<16xf32>
      %reduce_max3A_69 = vector.multi_reduction <maximumf>, %sub3A_67, %reduce_max3A_68 [1] : vector<16x16xf32> to vector<16xf32>
      %broadcast_in_dim3A_70 = vector.shape_cast %reduce_max3A_69 : vector<16xf32> to vector<16x1xf32>
      %sub3A_71 = vector.broadcast %broadcast_in_dim3A_70 : vector<16x1xf32> to vector<16x16xf32>
      %sub3A_72 = arith.subf %sub3A_67, %sub3A_71 : vector<16x16xf32>
      %exp3A_73 = math.exp %sub3A_72 : vector<16x16xf32>
      %reduce_sum3A_74 = arith.constant dense<0.000000e+00> : vector<16xf32>
      %reduce_sum3A_75 = vector.multi_reduction <add>, %exp3A_73, %reduce_sum3A_74 [1] : vector<16x16xf32> to vector<16xf32>
      %broadcast_in_dim3A_76 = vector.shape_cast %reduce_sum3A_75 : vector<16xf32> to vector<16x1xf32>
      %log3A_77 = math.log %broadcast_in_dim3A_76 : vector<16x1xf32>
      %add3A_78 = arith.addf %broadcast_in_dim3A_70, %log3A_77 : vector<16x1xf32>
      %sub3A_79 = vector.broadcast %add3A_78 : vector<16x1xf32> to vector<16x16xf32>
      %sub3A_80 = arith.subf %sub3A_67, %sub3A_79 : vector<16x16xf32>
      %reduce_max3A_81 = arith.constant dense<0xFF800000> : vector<16xf32>
      %reduce_max3A_82 = vector.multi_reduction <maximumf>, %sub3A_80, %reduce_max3A_81 [0] : vector<16x16xf32> to vector<16xf32>
      %broadcast_in_dim3A_83 = vector.shape_cast %reduce_max3A_82 : vector<16xf32> to vector<1x16xf32>
      %sub3A_84 = vector.broadcast %broadcast_in_dim3A_83 : vector<1x16xf32> to vector<16x16xf32>
      %sub3A_85 = arith.subf %sub3A_80, %sub3A_84 : vector<16x16xf32>
      %exp3A_86 = math.exp %sub3A_85 : vector<16x16xf32>
      %reduce_sum3A_87 = arith.constant dense<0.000000e+00> : vector<16xf32>
      %reduce_sum3A_88 = vector.multi_reduction <add>, %exp3A_86, %reduce_sum3A_87 [0] : vector<16x16xf32> to vector<16xf32>
      %broadcast_in_dim3A_89 = vector.shape_cast %reduce_sum3A_88 : vector<16xf32> to vector<1x16xf32>
      %log3A_90 = math.log %broadcast_in_dim3A_89 : vector<1x16xf32>
      %add3A_91 = arith.addf %broadcast_in_dim3A_83, %log3A_90 : vector<1x16xf32>
      %sub3A_92 = vector.broadcast %add3A_91 : vector<1x16xf32> to vector<16x16xf32>
      %sub3A_93 = arith.subf %sub3A_80, %sub3A_92 : vector<16x16xf32>
      %reduce_max3A_94 = arith.constant dense<0xFF800000> : vector<16xf32>
      %reduce_max3A_95 = vector.multi_reduction <maximumf>, %sub3A_93, %reduce_max3A_94 [1] : vector<16x16xf32> to vector<16xf32>
      %broadcast_in_dim3A_96 = vector.shape_cast %reduce_max3A_95 : vector<16xf32> to vector<16x1xf32>
      %sub3A_97 = vector.broadcast %broadcast_in_dim3A_96 : vector<16x1xf32> to vector<16x16xf32>
      %sub3A_98 = arith.subf %sub3A_93, %sub3A_97 : vector<16x16xf32>
      %exp3A_99 = math.exp %sub3A_98 : vector<16x16xf32>
      %reduce_sum3A_100 = arith.constant dense<0.000000e+00> : vector<16xf32>
      %reduce_sum3A_101 = vector.multi_reduction <add>, %exp3A_99, %reduce_sum3A_100 [1] : vector<16x16xf32> to vector<16xf32>
      %broadcast_in_dim3A_102 = vector.shape_cast %reduce_sum3A_101 : vector<16xf32> to vector<16x1xf32>
      %log3A_103 = math.log %broadcast_in_dim3A_102 : vector<16x1xf32>
      %add3A_104 = arith.addf %broadcast_in_dim3A_96, %log3A_103 : vector<16x1xf32>
      %sub3A_105 = vector.broadcast %add3A_104 : vector<16x1xf32> to vector<16x16xf32>
      %sub3A_106 = arith.subf %sub3A_93, %sub3A_105 : vector<16x16xf32>
      %reduce_max3A_107 = arith.constant dense<0xFF800000> : vector<16xf32>
      %reduce_max3A_108 = vector.multi_reduction <maximumf>, %sub3A_106, %reduce_max3A_107 [0] : vector<16x16xf32> to vector<16xf32>
      %broadcast_in_dim3A_109 = vector.shape_cast %reduce_max3A_108 : vector<16xf32> to vector<1x16xf32>
      %sub3A_110 = vector.broadcast %broadcast_in_dim3A_109 : vector<1x16xf32> to vector<16x16xf32>
      %sub3A_111 = arith.subf %sub3A_106, %sub3A_110 : vector<16x16xf32>
      %exp3A_112 = math.exp %sub3A_111 : vector<16x16xf32>
      %reduce_sum3A_113 = arith.constant dense<0.000000e+00> : vector<16xf32>
      %reduce_sum3A_114 = vector.multi_reduction <add>, %exp3A_112, %reduce_sum3A_113 [0] : vector<16x16xf32> to vector<16xf32>
      %broadcast_in_dim3A_115 = vector.shape_cast %reduce_sum3A_114 : vector<16xf32> to vector<1x16xf32>
      %log3A_116 = math.log %broadcast_in_dim3A_115 : vector<1x16xf32>
      %add3A_117 = arith.addf %broadcast_in_dim3A_109, %log3A_116 : vector<1x16xf32>
      %sub3A_118 = vector.broadcast %add3A_117 : vector<1x16xf32> to vector<16x16xf32>
      %sub3A_119 = arith.subf %sub3A_106, %sub3A_118 : vector<16x16xf32>
      %reduce_max3A_120 = arith.constant dense<0xFF800000> : vector<16xf32>
      %reduce_max3A_121 = vector.multi_reduction <maximumf>, %sub3A_119, %reduce_max3A_120 [1] : vector<16x16xf32> to vector<16xf32>
      %broadcast_in_dim3A_122 = vector.shape_cast %reduce_max3A_121 : vector<16xf32> to vector<16x1xf32>
      %sub3A_123 = vector.broadcast %broadcast_in_dim3A_122 : vector<16x1xf32> to vector<16x16xf32>
      %sub3A_124 = arith.subf %sub3A_119, %sub3A_123 : vector<16x16xf32>
      %exp3A_125 = math.exp %sub3A_124 : vector<16x16xf32>
      %reduce_sum3A_126 = arith.constant dense<0.000000e+00> : vector<16xf32>
      %reduce_sum3A_127 = vector.multi_reduction <add>, %exp3A_125, %reduce_sum3A_126 [1] : vector<16x16xf32> to vector<16xf32>
      %broadcast_in_dim3A_128 = vector.shape_cast %reduce_sum3A_127 : vector<16xf32> to vector<16x1xf32>
      %log3A_129 = math.log %broadcast_in_dim3A_128 : vector<16x1xf32>
      %add3A_130 = arith.addf %broadcast_in_dim3A_122, %log3A_129 : vector<16x1xf32>
      %sub3A_131 = vector.broadcast %add3A_130 : vector<16x1xf32> to vector<16x16xf32>
      %sub3A_132 = arith.subf %sub3A_119, %sub3A_131 : vector<16x16xf32>
      %reduce_max3A_133 = arith.constant dense<0xFF800000> : vector<16xf32>
      %reduce_max3A_134 = vector.multi_reduction <maximumf>, %sub3A_132, %reduce_max3A_133 [0] : vector<16x16xf32> to vector<16xf32>
      %broadcast_in_dim3A_135 = vector.shape_cast %reduce_max3A_134 : vector<16xf32> to vector<1x16xf32>
      %sub3A_136 = vector.broadcast %broadcast_in_dim3A_135 : vector<1x16xf32> to vector<16x16xf32>
      %sub3A_137 = arith.subf %sub3A_132, %sub3A_136 : vector<16x16xf32>
      %exp3A_138 = math.exp %sub3A_137 : vector<16x16xf32>
      %reduce_sum3A_139 = arith.constant dense<0.000000e+00> : vector<16xf32>
      %reduce_sum3A_140 = vector.multi_reduction <add>, %exp3A_138, %reduce_sum3A_139 [0] : vector<16x16xf32> to vector<16xf32>
      %broadcast_in_dim3A_141 = vector.shape_cast %reduce_sum3A_140 : vector<16xf32> to vector<1x16xf32>
      %log3A_142 = math.log %broadcast_in_dim3A_141 : vector<1x16xf32>
      %add3A_143 = arith.addf %broadcast_in_dim3A_135, %log3A_142 : vector<1x16xf32>
      %sub3A_144 = vector.broadcast %add3A_143 : vector<1x16xf32> to vector<16x16xf32>
      %sub3A_145 = arith.subf %sub3A_132, %sub3A_144 : vector<16x16xf32>
      %reduce_max3A_146 = arith.constant dense<0xFF800000> : vector<16xf32>
      %reduce_max3A_147 = vector.multi_reduction <maximumf>, %sub3A_145, %reduce_max3A_146 [1] : vector<16x16xf32> to vector<16xf32>
      %broadcast_in_dim3A_148 = vector.shape_cast %reduce_max3A_147 : vector<16xf32> to vector<16x1xf32>
      %sub3A_149 = vector.broadcast %broadcast_in_dim3A_148 : vector<16x1xf32> to vector<16x16xf32>
      %sub3A_150 = arith.subf %sub3A_145, %sub3A_149 : vector<16x16xf32>
      %exp3A_151 = math.exp %sub3A_150 : vector<16x16xf32>
      %reduce_sum3A_152 = arith.constant dense<0.000000e+00> : vector<16xf32>
      %reduce_sum3A_153 = vector.multi_reduction <add>, %exp3A_151, %reduce_sum3A_152 [1] : vector<16x16xf32> to vector<16xf32>
      %broadcast_in_dim3A_154 = vector.shape_cast %reduce_sum3A_153 : vector<16xf32> to vector<16x1xf32>
      %log3A_155 = math.log %broadcast_in_dim3A_154 : vector<16x1xf32>
      %add3A_156 = arith.addf %broadcast_in_dim3A_148, %log3A_155 : vector<16x1xf32>
      %sub3A_157 = vector.broadcast %add3A_156 : vector<16x1xf32> to vector<16x16xf32>
      %sub3A_158 = arith.subf %sub3A_145, %sub3A_157 : vector<16x16xf32>
      %reduce_max3A_159 = arith.constant dense<0xFF800000> : vector<16xf32>
      %reduce_max3A_160 = vector.multi_reduction <maximumf>, %sub3A_158, %reduce_max3A_159 [0] : vector<16x16xf32> to vector<16xf32>
      %broadcast_in_dim3A_161 = vector.shape_cast %reduce_max3A_160 : vector<16xf32> to vector<1x16xf32>
      %sub3A_162 = vector.broadcast %broadcast_in_dim3A_161 : vector<1x16xf32> to vector<16x16xf32>
      %sub3A_163 = arith.subf %sub3A_158, %sub3A_162 : vector<16x16xf32>
      %exp3A_164 = math.exp %sub3A_163 : vector<16x16xf32>
      %reduce_sum3A_165 = arith.constant dense<0.000000e+00> : vector<16xf32>
      %reduce_sum3A_166 = vector.multi_reduction <add>, %exp3A_164, %reduce_sum3A_165 [0] : vector<16x16xf32> to vector<16xf32>
      %broadcast_in_dim3A_167 = vector.shape_cast %reduce_sum3A_166 : vector<16xf32> to vector<1x16xf32>
      %log3A_168 = math.log %broadcast_in_dim3A_167 : vector<1x16xf32>
      %add3A_169 = arith.addf %broadcast_in_dim3A_161, %log3A_168 : vector<1x16xf32>
      %sub3A_170 = vector.broadcast %add3A_169 : vector<1x16xf32> to vector<16x16xf32>
      %sub3A_171 = arith.subf %sub3A_158, %sub3A_170 : vector<16x16xf32>
      %exp3A_172 = math.exp %sub3A_171 : vector<16x16xf32>
      %reduce_max3A_173 = arith.constant dense<0xFF800000> : vector<16xf32>
      %reduce_max3A_174 = vector.multi_reduction <maximumf>, %exp3A_172, %reduce_max3A_173 [1] : vector<16x16xf32> to vector<16xf32>
      %broadcast_in_dim3A_175 = vector.shape_cast %reduce_max3A_174 : vector<16xf32> to vector<16x1xf32>
      %iota3A = tpu.iota {dimensions = array<i32: 1>} : vector<16x16xi32>
      %ge3A = vector.broadcast %broadcast_in_dim3A_175 : vector<16x1xf32> to vector<16x16xf32>
      %ge3A_176 = arith.cmpf oge, %exp3A_172, %ge3A : vector<16x16xf32>
      %jit3A = arith.constant 16 : i32
      %broadcast_in_dim3A_177 = vector.broadcast %jit3A : i32 to vector<16x16xi32>
      %select_n3A = arith.select %ge3A_176, %iota3A, %broadcast_in_dim3A_177 : vector<16x16xi1>, vector<16x16xi32>
      %reduce_min3A = arith.constant dense<2147483647> : vector<16xi32>
      %reduce_min3A_178 = vector.multi_reduction <minsi>, %select_n3A, %reduce_min3A [1] : vector<16x16xi32> to vector<16xi32>
      %broadcast_in_dim3A_179 = vector.shape_cast %reduce_min3A_178 : vector<16xi32> to vector<16x1xi32>
      %get3A_180 = arith.constant 0 : index
      %get3A_181 = arith.constant 1024 : index
      %get3A_182 = vector.load %arg11[%get3A_180, %get3A_181] : memref<16x2048xf32, #tpu.memory_space<vmem>>, vector<16x1024xf32>
      %get3A_183 = arith.constant 0 : index
      %get3A_184 = arith.constant 0 : index
      %get3A_185 = vector.load %arg2[%get3A_183, %get3A_184] : memref<1024x1024xf32, #tpu.memory_space<vmem>>, vector<1024x1024xf32>
      %dot_general3A_186 = arith.constant dense<0.000000e+00> : vector<16x1024xf32>
      %dot_general3A_187 = tpu.matmul %get3A_182, %get3A_185, %dot_general3A_186 {dimension_numbers = #tpu.dot_dimension_numbers<[1], [1], [0], [0], [0, 0, 1, 0], [], []>, transpose_lhs_hint = false} : vector<16x1024xf32>, vector<1024x1024xf32>, vector<16x1024xf32> -> vector<16x1024xf32>
      %get3A_188 = arith.constant 0 : index
      %get3A_189 = arith.constant 0 : index
      %get3A_190 = vector.load %arg3[%get3A_188, %get3A_189] : memref<1x1024xf32, #tpu.memory_space<vmem>>, vector<1x1024xf32>
      %add3A_191 = vector.broadcast %get3A_190 : vector<1x1024xf32> to vector<16x1024xf32>
      %add3A_192 = arith.addf %dot_general3A_187, %add3A_191 : vector<16x1024xf32>
      %get3A_193 = arith.constant 0 : index
      %get3A_194 = arith.constant 0 : index
      %get3A_195 = vector.load %arg4[%get3A_193, %get3A_194] : memref<1024x1024xf32, #tpu.memory_space<vmem>>, vector<1024x1024xf32>
      %dot_general3A_196 = arith.constant dense<0.000000e+00> : vector<16x1024xf32>
      %dot_general3A_197 = tpu.matmul %get3A_182, %get3A_195, %dot_general3A_196 {dimension_numbers = #tpu.dot_dimension_numbers<[1], [1], [0], [0], [0, 0, 1, 0], [], []>, transpose_lhs_hint = false} : vector<16x1024xf32>, vector<1024x1024xf32>, vector<16x1024xf32> -> vector<16x1024xf32>
      %get3A_198 = arith.constant 0 : index
      %get3A_199 = arith.constant 0 : index
      %get3A_200 = vector.load %arg5[%get3A_198, %get3A_199] : memref<1x1024xf32, #tpu.memory_space<vmem>>, vector<1x1024xf32>
      %add3A_201 = vector.broadcast %get3A_200 : vector<1x1024xf32> to vector<16x1024xf32>
      %add3A_202 = arith.addf %dot_general3A_197, %add3A_201 : vector<16x1024xf32>
      %dot_general3A_203 = arith.constant dense<0.000000e+00> : vector<16x16xf32>
      %dot_general3A_204 = tpu.matmul %add3A_192, %add3A_202, %dot_general3A_203 {dimension_numbers = #tpu.dot_dimension_numbers<[1], [1], [0], [0], [0, 0, 1, 0], [], []>, transpose_lhs_hint = false} : vector<16x1024xf32>, vector<16x1024xf32>, vector<16x16xf32> -> vector<16x16xf32>
      %mul3A_205 = arith.constant 3.125000e-02 : f32
      %mul3A_206 = vector.broadcast %mul3A_205 : f32 to vector<16x16xf32>
      %mul3A_207 = arith.mulf %dot_general3A_204, %mul3A_206 : vector<16x16xf32>
      %reduce_max3A_208 = arith.constant dense<0xFF800000> : vector<16xf32>
      %reduce_max3A_209 = vector.multi_reduction <maximumf>, %mul3A_207, %reduce_max3A_208 [1] : vector<16x16xf32> to vector<16xf32>
      %broadcast_in_dim3A_210 = vector.shape_cast %reduce_max3A_209 : vector<16xf32> to vector<16x1xf32>
      %sub3A_211 = vector.broadcast %broadcast_in_dim3A_210 : vector<16x1xf32> to vector<16x16xf32>
      %sub3A_212 = arith.subf %mul3A_207, %sub3A_211 : vector<16x16xf32>
      %exp3A_213 = math.exp %sub3A_212 : vector<16x16xf32>
      %reduce_sum3A_214 = arith.constant dense<0.000000e+00> : vector<16xf32>
      %reduce_sum3A_215 = vector.multi_reduction <add>, %exp3A_213, %reduce_sum3A_214 [1] : vector<16x16xf32> to vector<16xf32>
      %broadcast_in_dim3A_216 = vector.shape_cast %reduce_sum3A_215 : vector<16xf32> to vector<16x1xf32>
      %log3A_217 = math.log %broadcast_in_dim3A_216 : vector<16x1xf32>
      %add3A_218 = arith.addf %broadcast_in_dim3A_210, %log3A_217 : vector<16x1xf32>
      %sub3A_219 = vector.broadcast %add3A_218 : vector<16x1xf32> to vector<16x16xf32>
      %sub3A_220 = arith.subf %mul3A_207, %sub3A_219 : vector<16x16xf32>
      %reduce_max3A_221 = arith.constant dense<0xFF800000> : vector<16xf32>
      %reduce_max3A_222 = vector.multi_reduction <maximumf>, %sub3A_220, %reduce_max3A_221 [0] : vector<16x16xf32> to vector<16xf32>
      %broadcast_in_dim3A_223 = vector.shape_cast %reduce_max3A_222 : vector<16xf32> to vector<1x16xf32>
      %sub3A_224 = vector.broadcast %broadcast_in_dim3A_223 : vector<1x16xf32> to vector<16x16xf32>
      %sub3A_225 = arith.subf %sub3A_220, %sub3A_224 : vector<16x16xf32>
      %exp3A_226 = math.exp %sub3A_225 : vector<16x16xf32>
      %reduce_sum3A_227 = arith.constant dense<0.000000e+00> : vector<16xf32>
      %reduce_sum3A_228 = vector.multi_reduction <add>, %exp3A_226, %reduce_sum3A_227 [0] : vector<16x16xf32> to vector<16xf32>
      %broadcast_in_dim3A_229 = vector.shape_cast %reduce_sum3A_228 : vector<16xf32> to vector<1x16xf32>
      %log3A_230 = math.log %broadcast_in_dim3A_229 : vector<1x16xf32>
      %add3A_231 = arith.addf %broadcast_in_dim3A_223, %log3A_230 : vector<1x16xf32>
      %sub3A_232 = vector.broadcast %add3A_231 : vector<1x16xf32> to vector<16x16xf32>
      %sub3A_233 = arith.subf %sub3A_220, %sub3A_232 : vector<16x16xf32>
      %reduce_max3A_234 = arith.constant dense<0xFF800000> : vector<16xf32>
      %reduce_max3A_235 = vector.multi_reduction <maximumf>, %sub3A_233, %reduce_max3A_234 [1] : vector<16x16xf32> to vector<16xf32>
      %broadcast_in_dim3A_236 = vector.shape_cast %reduce_max3A_235 : vector<16xf32> to vector<16x1xf32>
      %sub3A_237 = vector.broadcast %broadcast_in_dim3A_236 : vector<16x1xf32> to vector<16x16xf32>
      %sub3A_238 = arith.subf %sub3A_233, %sub3A_237 : vector<16x16xf32>
      %exp3A_239 = math.exp %sub3A_238 : vector<16x16xf32>
      %reduce_sum3A_240 = arith.constant dense<0.000000e+00> : vector<16xf32>
      %reduce_sum3A_241 = vector.multi_reduction <add>, %exp3A_239, %reduce_sum3A_240 [1] : vector<16x16xf32> to vector<16xf32>
      %broadcast_in_dim3A_242 = vector.shape_cast %reduce_sum3A_241 : vector<16xf32> to vector<16x1xf32>
      %log3A_243 = math.log %broadcast_in_dim3A_242 : vector<16x1xf32>
      %add3A_244 = arith.addf %broadcast_in_dim3A_236, %log3A_243 : vector<16x1xf32>
      %sub3A_245 = vector.broadcast %add3A_244 : vector<16x1xf32> to vector<16x16xf32>
      %sub3A_246 = arith.subf %sub3A_233, %sub3A_245 : vector<16x16xf32>
      %reduce_max3A_247 = arith.constant dense<0xFF800000> : vector<16xf32>
      %reduce_max3A_248 = vector.multi_reduction <maximumf>, %sub3A_246, %reduce_max3A_247 [0] : vector<16x16xf32> to vector<16xf32>
      %broadcast_in_dim3A_249 = vector.shape_cast %reduce_max3A_248 : vector<16xf32> to vector<1x16xf32>
      %sub3A_250 = vector.broadcast %broadcast_in_dim3A_249 : vector<1x16xf32> to vector<16x16xf32>
      %sub3A_251 = arith.subf %sub3A_246, %sub3A_250 : vector<16x16xf32>
      %exp3A_252 = math.exp %sub3A_251 : vector<16x16xf32>
      %reduce_sum3A_253 = arith.constant dense<0.000000e+00> : vector<16xf32>
      %reduce_sum3A_254 = vector.multi_reduction <add>, %exp3A_252, %reduce_sum3A_253 [0] : vector<16x16xf32> to vector<16xf32>
      %broadcast_in_dim3A_255 = vector.shape_cast %reduce_sum3A_254 : vector<16xf32> to vector<1x16xf32>
      %log3A_256 = math.log %broadcast_in_dim3A_255 : vector<1x16xf32>
      %add3A_257 = arith.addf %broadcast_in_dim3A_249, %log3A_256 : vector<1x16xf32>
      %sub3A_258 = vector.broadcast %add3A_257 : vector<1x16xf32> to vector<16x16xf32>
      %sub3A_259 = arith.subf %sub3A_246, %sub3A_258 : vector<16x16xf32>
      %reduce_max3A_260 = arith.constant dense<0xFF800000> : vector<16xf32>
      %reduce_max3A_261 = vector.multi_reduction <maximumf>, %sub3A_259, %reduce_max3A_260 [1] : vector<16x16xf32> to vector<16xf32>
      %broadcast_in_dim3A_262 = vector.shape_cast %reduce_max3A_261 : vector<16xf32> to vector<16x1xf32>
      %sub3A_263 = vector.broadcast %broadcast_in_dim3A_262 : vector<16x1xf32> to vector<16x16xf32>
      %sub3A_264 = arith.subf %sub3A_259, %sub3A_263 : vector<16x16xf32>
      %exp3A_265 = math.exp %sub3A_264 : vector<16x16xf32>
      %reduce_sum3A_266 = arith.constant dense<0.000000e+00> : vector<16xf32>
      %reduce_sum3A_267 = vector.multi_reduction <add>, %exp3A_265, %reduce_sum3A_266 [1] : vector<16x16xf32> to vector<16xf32>
      %broadcast_in_dim3A_268 = vector.shape_cast %reduce_sum3A_267 : vector<16xf32> to vector<16x1xf32>
      %log3A_269 = math.log %broadcast_in_dim3A_268 : vector<16x1xf32>
      %add3A_270 = arith.addf %broadcast_in_dim3A_262, %log3A_269 : vector<16x1xf32>
      %sub3A_271 = vector.broadcast %add3A_270 : vector<16x1xf32> to vector<16x16xf32>
      %sub3A_272 = arith.subf %sub3A_259, %sub3A_271 : vector<16x16xf32>
      %reduce_max3A_273 = arith.constant dense<0xFF800000> : vector<16xf32>
      %reduce_max3A_274 = vector.multi_reduction <maximumf>, %sub3A_272, %reduce_max3A_273 [0] : vector<16x16xf32> to vector<16xf32>
      %broadcast_in_dim3A_275 = vector.shape_cast %reduce_max3A_274 : vector<16xf32> to vector<1x16xf32>
      %sub3A_276 = vector.broadcast %broadcast_in_dim3A_275 : vector<1x16xf32> to vector<16x16xf32>
      %sub3A_277 = arith.subf %sub3A_272, %sub3A_276 : vector<16x16xf32>
      %exp3A_278 = math.exp %sub3A_277 : vector<16x16xf32>
      %reduce_sum3A_279 = arith.constant dense<0.000000e+00> : vector<16xf32>
      %reduce_sum3A_280 = vector.multi_reduction <add>, %exp3A_278, %reduce_sum3A_279 [0] : vector<16x16xf32> to vector<16xf32>
      %broadcast_in_dim3A_281 = vector.shape_cast %reduce_sum3A_280 : vector<16xf32> to vector<1x16xf32>
      %log3A_282 = math.log %broadcast_in_dim3A_281 : vector<1x16xf32>
      %add3A_283 = arith.addf %broadcast_in_dim3A_275, %log3A_282 : vector<1x16xf32>
      %sub3A_284 = vector.broadcast %add3A_283 : vector<1x16xf32> to vector<16x16xf32>
      %sub3A_285 = arith.subf %sub3A_272, %sub3A_284 : vector<16x16xf32>
      %reduce_max3A_286 = arith.constant dense<0xFF800000> : vector<16xf32>
      %reduce_max3A_287 = vector.multi_reduction <maximumf>, %sub3A_285, %reduce_max3A_286 [1] : vector<16x16xf32> to vector<16xf32>
      %broadcast_in_dim3A_288 = vector.shape_cast %reduce_max3A_287 : vector<16xf32> to vector<16x1xf32>
      %sub3A_289 = vector.broadcast %broadcast_in_dim3A_288 : vector<16x1xf32> to vector<16x16xf32>
      %sub3A_290 = arith.subf %sub3A_285, %sub3A_289 : vector<16x16xf32>
      %exp3A_291 = math.exp %sub3A_290 : vector<16x16xf32>
      %reduce_sum3A_292 = arith.constant dense<0.000000e+00> : vector<16xf32>
      %reduce_sum3A_293 = vector.multi_reduction <add>, %exp3A_291, %reduce_sum3A_292 [1] : vector<16x16xf32> to vector<16xf32>
      %broadcast_in_dim3A_294 = vector.shape_cast %reduce_sum3A_293 : vector<16xf32> to vector<16x1xf32>
      %log3A_295 = math.log %broadcast_in_dim3A_294 : vector<16x1xf32>
      %add3A_296 = arith.addf %broadcast_in_dim3A_288, %log3A_295 : vector<16x1xf32>
      %sub3A_297 = vector.broadcast %add3A_296 : vector<16x1xf32> to vector<16x16xf32>
      %sub3A_298 = arith.subf %sub3A_285, %sub3A_297 : vector<16x16xf32>
      %reduce_max3A_299 = arith.constant dense<0xFF800000> : vector<16xf32>
      %reduce_max3A_300 = vector.multi_reduction <maximumf>, %sub3A_298, %reduce_max3A_299 [0] : vector<16x16xf32> to vector<16xf32>
      %broadcast_in_dim3A_301 = vector.shape_cast %reduce_max3A_300 : vector<16xf32> to vector<1x16xf32>
      %sub3A_302 = vector.broadcast %broadcast_in_dim3A_301 : vector<1x16xf32> to vector<16x16xf32>
      %sub3A_303 = arith.subf %sub3A_298, %sub3A_302 : vector<16x16xf32>
      %exp3A_304 = math.exp %sub3A_303 : vector<16x16xf32>
      %reduce_sum3A_305 = arith.constant dense<0.000000e+00> : vector<16xf32>
      %reduce_sum3A_306 = vector.multi_reduction <add>, %exp3A_304, %reduce_sum3A_305 [0] : vector<16x16xf32> to vector<16xf32>
      %broadcast_in_dim3A_307 = vector.shape_cast %reduce_sum3A_306 : vector<16xf32> to vector<1x16xf32>
      %log3A_308 = math.log %broadcast_in_dim3A_307 : vector<1x16xf32>
      %add3A_309 = arith.addf %broadcast_in_dim3A_301, %log3A_308 : vector<1x16xf32>
      %sub3A_310 = vector.broadcast %add3A_309 : vector<1x16xf32> to vector<16x16xf32>
      %sub3A_311 = arith.subf %sub3A_298, %sub3A_310 : vector<16x16xf32>
      %reduce_max3A_312 = arith.constant dense<0xFF800000> : vector<16xf32>
      %reduce_max3A_313 = vector.multi_reduction <maximumf>, %sub3A_311, %reduce_max3A_312 [1] : vector<16x16xf32> to vector<16xf32>
      %broadcast_in_dim3A_314 = vector.shape_cast %reduce_max3A_313 : vector<16xf32> to vector<16x1xf32>
      %sub3A_315 = vector.broadcast %broadcast_in_dim3A_314 : vector<16x1xf32> to vector<16x16xf32>
      %sub3A_316 = arith.subf %sub3A_311, %sub3A_315 : vector<16x16xf32>
      %exp3A_317 = math.exp %sub3A_316 : vector<16x16xf32>
      %reduce_sum3A_318 = arith.constant dense<0.000000e+00> : vector<16xf32>
      %reduce_sum3A_319 = vector.multi_reduction <add>, %exp3A_317, %reduce_sum3A_318 [1] : vector<16x16xf32> to vector<16xf32>
      %broadcast_in_dim3A_320 = vector.shape_cast %reduce_sum3A_319 : vector<16xf32> to vector<16x1xf32>
      %log3A_321 = math.log %broadcast_in_dim3A_320 : vector<16x1xf32>
      %add3A_322 = arith.addf %broadcast_in_dim3A_314, %log3A_321 : vector<16x1xf32>
      %sub3A_323 = vector.broadcast %add3A_322 : vector<16x1xf32> to vector<16x16xf32>
      %sub3A_324 = arith.subf %sub3A_311, %sub3A_323 : vector<16x16xf32>
      %reduce_max3A_325 = arith.constant dense<0xFF800000> : vector<16xf32>
      %reduce_max3A_326 = vector.multi_reduction <maximumf>, %sub3A_324, %reduce_max3A_325 [0] : vector<16x16xf32> to vector<16xf32>
      %broadcast_in_dim3A_327 = vector.shape_cast %reduce_max3A_326 : vector<16xf32> to vector<1x16xf32>
      %sub3A_328 = vector.broadcast %broadcast_in_dim3A_327 : vector<1x16xf32> to vector<16x16xf32>
      %sub3A_329 = arith.subf %sub3A_324, %sub3A_328 : vector<16x16xf32>
      %exp3A_330 = math.exp %sub3A_329 : vector<16x16xf32>
      %reduce_sum3A_331 = arith.constant dense<0.000000e+00> : vector<16xf32>
      %reduce_sum3A_332 = vector.multi_reduction <add>, %exp3A_330, %reduce_sum3A_331 [0] : vector<16x16xf32> to vector<16xf32>
      %broadcast_in_dim3A_333 = vector.shape_cast %reduce_sum3A_332 : vector<16xf32> to vector<1x16xf32>
      %log3A_334 = math.log %broadcast_in_dim3A_333 : vector<1x16xf32>
      %add3A_335 = arith.addf %broadcast_in_dim3A_327, %log3A_334 : vector<1x16xf32>
      %sub3A_336 = vector.broadcast %add3A_335 : vector<1x16xf32> to vector<16x16xf32>
      %sub3A_337 = arith.subf %sub3A_324, %sub3A_336 : vector<16x16xf32>
      %exp3A_338 = math.exp %sub3A_337 : vector<16x16xf32>
      %reduce_max3A_339 = arith.constant dense<0xFF800000> : vector<16xf32>
      %reduce_max3A_340 = vector.multi_reduction <maximumf>, %exp3A_338, %reduce_max3A_339 [1] : vector<16x16xf32> to vector<16xf32>
      %broadcast_in_dim3A_341 = vector.shape_cast %reduce_max3A_340 : vector<16xf32> to vector<16x1xf32>
      %iota3A_342 = tpu.iota {dimensions = array<i32: 1>} : vector<16x16xi32>
      %ge3A_343 = vector.broadcast %broadcast_in_dim3A_341 : vector<16x1xf32> to vector<16x16xf32>
      %ge3A_344 = arith.cmpf oge, %exp3A_338, %ge3A_343 : vector<16x16xf32>
      %jit3A_345 = arith.constant 16 : i32
      %broadcast_in_dim3A_346 = vector.broadcast %jit3A_345 : i32 to vector<16x16xi32>
      %select_n3A_347 = arith.select %ge3A_344, %iota3A_342, %broadcast_in_dim3A_346 : vector<16x16xi1>, vector<16x16xi32>
      %reduce_min3A_348 = arith.constant dense<2147483647> : vector<16xi32>
      %reduce_min3A_349 = vector.multi_reduction <minsi>, %select_n3A_347, %reduce_min3A_348 [1] : vector<16x16xi32> to vector<16xi32>
      %broadcast_in_dim3A_350 = vector.shape_cast %reduce_min3A_349 : vector<16xi32> to vector<16x1xi32>
      %concatenate3A = tpu.concatenate %broadcast_in_dim3A_179, %broadcast_in_dim3A_350 in 1 : vector<16x1xi32>, vector<16x1xi32> -> vector<16x2xi32>
      %swap3A_351 = arith.constant 0 : index
      %swap3A_352 = arith.constant 0 : index
      %swap3A_353 = vector.load %arg8[%swap3A_351, %swap3A_352] : memref<16x2xi32, #tpu.memory_space<vmem>>, vector<16x2xi32>
      tpu.vector_store %arg8[%swap3A_351, %swap3A_352], %concatenate3A {strides = array<i32>} : memref<16x2xi32, #tpu.memory_space<vmem>>, vector<16x2xi32>,
    } else {
    }
    return
  }
  func.func @transform_0(%arg0: i32) -> (i32, i32) {
    %c0_i32 = arith.constant 0 : i32
    %c0_i32_0 = arith.constant 0 : i32
    return %arg0, %c0_i32 : i32, i32
  }
  func.func @transform_1(%arg0: i32) -> (i32, i32) {
    %c0_i32 = arith.constant 0 : i32
    %c0_i32_0 = arith.constant 0 : i32
    %c0_i32_1 = arith.constant 0 : i32
    return %c0_i32, %c0_i32_0 : i32, i32
  }
  func.func @transform_2(%arg0: i32) -> (i32, i32) {
    %c0_i32 = arith.constant 0 : i32
    %c0_i32_0 = arith.constant 0 : i32
    %c0_i32_1 = arith.constant 0 : i32
    return %c0_i32, %c0_i32_0 : i32, i32
  }
  func.func @transform_3(%arg0: i32) -> (i32, i32) {
    %c0_i32 = arith.constant 0 : i32
    %c0_i32_0 = arith.constant 0 : i32
    %c0_i32_1 = arith.constant 0 : i32
    return %c0_i32, %c0_i32_0 : i32, i32
  }
  func.func @transform_4(%arg0: i32) -> (i32, i32) {
    %c0_i32 = arith.constant 0 : i32
    %c0_i32_0 = arith.constant 0 : i32
    %c0_i32_1 = arith.constant 0 : i32
    return %c0_i32, %c0_i32_0 : i32, i32
  }
  func.func @transform_5(%arg0: i32) -> (i32, i32) {
    %c0_i32 = arith.constant 0 : i32
    %c0_i32_0 = arith.constant 0 : i32
    %c0_i32_1 = arith.constant 0 : i32
    return %c0_i32, %c0_i32_0 : i32, i32
  }
  func.func @transform_6(%arg0: i32) -> (i32, i32) {
    %c0_i32 = arith.constant 0 : i32
    %c0_i32_0 = arith.constant 0 : i32
    %c0_i32_1 = arith.constant 0 : i32
    return %c0_i32, %c0_i32_0 : i32, i32
  }
  func.func @transform_7(%arg0: i32) -> (i32, i32) {
    %c0_i32 = arith.constant 0 : i32
    %c0_i32_0 = arith.constant 0 : i32
    %c0_i32_1 = arith.constant 0 : i32
    return %c0_i32, %c0_i32_0 : i32, i32
  }
  func.func @transform_8(%arg0: i32) -> (i32, i32) {
    %c0_i32 = arith.constant 0 : i32
    %c0_i32_0 = arith.constant 0 : i32
    return %arg0, %c0_i32 : i32, i32
  }
  func.func @transform_9(%arg0: i32) -> (i32, i32) {
    %c0_i32 = arith.constant 0 : i32
    %c0_i32_0 = arith.constant 0 : i32
    %c0_i32_1 = arith.constant 0 : i32
    return %c0_i32, %c0_i32_0 : i32, i32
  }
}

</mosaic_0001>

<sc_bundles>
// kernel: sparse-core-data-format-call.cloned.1.call-start
scs
called_computation_lowered:
.L_overlay_start_0:
0x0: {  	s2 =	sld [smem:$0x3FD9]  }
0x1: {  	s3 =	sld [smem:$0x3FFE];
	_ =	sdelay $0x1  }
0x2: {  	s1 =	srdreg.scid  }
0x3: {  	s0 =	sand.u32 $0x1, s1  }
0x4: {  	s19 =	sshll.u32 s0, $0xA;
	s2 =	sadd.s32 s3, s2  }
0x5: {  	s2 =	sadd.s32 s2, s19  }
0x6: {  	[smem:$0x3FBF] =	sst s2  }
0x7: {  	_ = 	snop  }
0x8: {  	s2 =	sld [smem:$0x3FC9]  }
0x9: {  	s20 =	sld [smem:$0x3FD0];
	(tm) =	ssettm $0x1  }
0xa: {  	s4 =	sld [smem:$0x3FFB];
	_ =	sdelay $0x3  }
0xb: {  	_ =	strace s4  }
0xc: {  	s4 =	sld [smem:$0x3FFC];
	_ =	sdelay $0x3  }
0xd: {  	_ =	strace s4  }
0xe: {  	s4 =	sld [smem:$0x3FFD];
	_ =	sdelay $0x3  }
0xf: {  	_ =	strace s4  }
0x10: {  	_ =	strace $0x8FFFFFFF  }
0x11: {  	s21 =	sld [smem:$0x3FDB];
	_ =	sdelay $0x1  }
0x12: {  	s5 =	simm.s32 $_scs_section_size  }
0x13: {  	s6 =	simm.s32 $_size__tile_overlayer_lowered;
	s7 =	simm.s32 $_tile_overlayer_lowered  }
0x14: {  	s24 =	simm.s32 $0x1BFF;
	s23 =	sshll.u32 s7, $0x1;
	s4 =	sadd.s32 s5, s21  }
0x15: {  	s8 =	simm.s32 $0x0;
	s22 =	sshll.u32 s6, $0x1;
	s6 =	sadd.s32 s23, s4  }
0x16: {  	[timem:s8], [sflag:s24] =	dma.local [hbm:s6], s22  }
0x17: {  	_ =	swait.ge [sflag:s24], s22  }
0x18: {  	s5 =	ssub.s32 $0x0, s22;
	[sflag:s24] =	ssyncset.done $0x0  }
0x19: {  	[sflag:s24] =	ssyncadd.s32 s5;
	_ =	sdelay $0x1  }
0x1a: {  	s25 =	simm.s32 $0x1B8B  }
0x1b: {  	_ =	swait.ge [sflag:s25], $0x1  }
0x1c: {  	[sflag:s25] =	ssyncset.done $0x0  }
0x1d: {  	s26 =	simm.s32 $0x1B8E;
	[sflag:s25] =	ssyncadd.s32 $0xFFFFFFFF  }
0x1e: {  	s27 =	simm.s32 $execute0_lowered;
	[smem:$0x3FD2] =	sst s26  }
0x1f: {  	s5 =	sshll.u32 s27, $0x1;
	_ =	strace $0x80000046;
	[dreg:$0x1] =	wrdreg $0xFFFFFFFF  }
0x20: {  	s28 =	simm.s32 $_size_execute0_lowered;
	s4 =	sadd.s32 s4, s5;
	[dreg:$0x0] =	wrdreg $0x0  }
0x21: {  	s5 =	sshll.u32 s28, $0x1;
	[dreg:$0x2] =	wrdreg s4  }
0x22: {  	[dreg:$0x3] =	wrdreg s5  }
0x23: {  	[dreg:$0x4] =	wrdreg $0xC0  }
0x24: {  	_ =	task [dreg:s8], $0x5FFFF  }
0x25: {  	[dreg:$0x1] =	wrdreg $0xFFFFFFFF  }
0x26: {  	[dreg:$0x0] =	wrdreg $0x60  }
0x27: {  	[dreg:$0x2] =	wrdreg s2  }
0x28: {  	[dreg:$0x3] =	wrdreg s20  }
0x29: {  	[dreg:$0x4] =	wrdreg $0x9  }
0x2a: {  	_ =	task.clear_ibuf [dreg:s8], $0x5FFFF;
	_ =	strace $0x90000046  }
0x2b: {  	s29 =	simm.s32 $0x9;
	_ =	strace $0x80000048  }
0x2c: {  	_ =	swait.ge [sflag:s29], $0x1  }
0x2d: {  	[sflag:s29] =	ssyncadd.s32 $0xFFFFFFFF  }
0x2e: {  	_ =	strace $0x90000048  }
0x2f: {  	_ =	sfence  }
0x30: {  	s30 =	sld [smem:$0x0];
	_ =	sdelay $0x2  }
0x31: {  	s31 =	sshll.u32 s1, $0xD;
	s1 =	sshrl.u32 s1, $0x2  }
0x32: {  	s3 =	sand.u32 $0x4000, s31;
	s1 =	sadd.s32 s1, s30  }
0x33: {  	s0 =	sor.u32 s3, s0;
	s1 =	sshll.u32 s1, $0x11  }
0x34: {  	s0 =	sor.u32 s1, s0  }
0x35: {  	s0 =	sadd.s32 $0x8F2B, s0  }
0x36: {  	[sflag:s0] =	ssyncadd.remote.s32 $0x1  }
0x37: {  	_ =	sfence.sel $0xFFFF  }
0x38: {  	[dreg:$0x0] =	wrdreg $0xFFFFFFFF;
	(pc) =	sbr.abs _section_cstart, $3  }
0x39: {  	[dreg:$0x1] =	wrdreg $0xFFFFFFFF  }
0x3a: {  	_ =	task.clear_ibuf [dreg:s8], $0x2FFFF;
	_ =	strace $0x9FFFFFFF  }
0x3b: {  	(tm) =	ssettm $0x7FFFFFFF  }
tec
execute0_lowered:
.L_overlay_start_1:
0x0: {  	(tag) =	ssettag $0x1  }
0x1: {  	s2 =	rddreg [dreg:$0x0]  }
0x2: {  	s3 =	rddreg [dreg:$0x1]  }
0x3: {  	s0 =	rddreg [dreg:$0x2]  }
.Ltmp0:
0x4: {  	_ =	strace $0x80000047;
	s4 =	srdreg.scid;
	(pc) =	sbr.rel .LBB1_1-.Ltmp0, $4  }
0x5: {  	s1 =	stileid.u32;
	s6 =	simm.s32 $0x2;
	s5 =	sshll.u32 s4, $0x4  }
0x6: {  	s9 =	simm.s32 $0x0;
	s4 =	simm.s32 $0x1;
	s5 =	sand.u32 $0x10, s5  }
0x7: {  	s7 =	simm.s32 $0x0;
	[sflag:s4] =	ssyncpa.u1 $0x0;
	s5 =	sor.u32 s1, s5  }
0x8: {  	[sflag:s6] =	ssyncpa.u1 $0x0;
	s6 =	simm.s32 $0x0;
	s8 =	smov.u32 s5  }
.LBB1_9:
0x9: {  	s11 =	sadd.s32 $0x20, s8  }
0xa: {  	p0 =	slt.u32 s7, $0x2;
	s7 =	sadd.s32 $0x1, s7;
	p1 =	sgt.s32 s11, $0x1FF  }
0xb: {  	s11 =	smov.u32 @p1 s5;
	p1 =	sne.s32 s7, $0x12  }
.Ltmp1:
0xc: {  	_ = 	snop;
	(pc) =	sbr.rel @!p1 .LBB1_10-.Ltmp1, $4  }
0xd: {  	s10 =	simm.s32 @!p0 $0x2  }
0xe: {  	_ =	swait.ge @!p0 [sflag:s10], $0x4000  }
0xf: {  	[sflag:s10] =	ssyncset.done @!p0 $0x0  }
0x10: {  	s9 =	smov.u32 s8;
	s8 =	smov.u32 s11;
	[sflag:s10] =	ssyncadd.s32 @!p0 $0xFFFFC000  }
.LBB1_1:
0x11: {  	p0 =	sgt.u32 s7, $0xF  }
0x12: {  	s10 =	sxor.u32 @!p0 $0xFFFFFFFF, s7  }
0x13: {  	s11 =	sshll.u32 @!p0 s8, $0xB;
	s10 =	sshll.u32 @!p0 s10, $0xE  }
0x14: {  	s12 =	simm.s32 @!p0 $0x0;
	s11 =	sadd.s32 @!p0 s2, s11;
	s10 =	sand.u32 @!p0 $0x4000, s10  }
0x15: {  	[tilespmem:s10], [sflag:$0x1] =	stream.linear.gather @!p0 [hbm4b:s11+s12], $0x4000, $0x38;
	[tilespmem:$0x10000] =	vst v63  }
0x16: {  	p0 =	seq.s32 s7, $0x0  }
0x17: {  	p1 =	seq.s32 @!p0 s7, $0x11  }
0x18: {  	p0 =	por p0, p1  }
.Ltmp2:
0x19: {  	_ = 	snop;
	(pc) =	sbr.rel @p0 .LBB1_9-.Ltmp2, $1  }
0x1a: {  	_ =	sdelay $0x3  }
0x1b: {  	_ =	swait.ge [sflag:s4], $0x4000;
	s10 =	sshll.u32 s7, $0xE  }
0x1c: {  	[sflag:s4] =	ssyncset.done $0x0;
	s11 =	sand.u32 $0x4000, s10  }
0x1d: {  	s12 =	simm.s32 $0x0;
	[sflag:s4] =	ssyncadd.s32 $0xFFFFC000;
	s10 =	sor.u32 $0x8000, s11  }
.LBB1_3:
0x1e: {  	s15 =	sshll.u32 s12, $0xB  }
0x1f: {  	s16 =	sshll.u32 s12, $0x7;
	p1 =	por $0x1, $0x1;
	v1 =	vmov s15  }
0x20: {  	s13 =	sadd.s32 s15, s11;
	s14 =	sadd.s32 s16, s10;
	v0 =	vmov s16;
	s15 =	simm.s32 $0x0  }
.LBB1_4:
0x21: {  	s16 =	sshll.u32 s15, $0x7  }
0x22: {  	s19 =	sadd.s32 s16, s13  }
0x23: {  	v2 =	vmov s19  }
0x24: {  	s18 =	sshll.u32 s15, $0xD;
	p0 =	por p1, p1;
	s17 =	simm.s32 $0x0  }
0x25: {  	p1 =	por $0x1, $0x1;
	s15 =	sadd.s32 s18, s10;
	s16 =	sadd.s32 s16, s11;
	v3 =	vmov s18  }
.LBB1_5:
0x26: {  	s17 =	sshll.u32 s17, $0x3  }
0x27: {  	s18 =	sshra.s32 s17, $0x2  }
0x28: {  	v4 =	vld.idx.msk [tilespmem:v2+s18+$0x0 ss:$0x1], $0xffff;
	s18 =	sadd.s32 s18, s16  }
0x29: {  	v5 =	vld.idx.msk [tilespmem:v1+s18+$0x10 ss:$0x1], $0xffff  }
0x2a: {  	v6 =	vld.idx.msk [tilespmem:v1+s18+$0x20 ss:$0x1], $0xffff  }
0x2b: {  	s17 =	sand.u32 $0x3FFFFFF8, s17;
	v7 =	vld.idx.msk [tilespmem:v1+s18+$0x30 ss:$0x1], $0xffff  }
0x2c: {  	s19 =	sadd.s32 s17, s15;
	v8 =	vld.idx.msk [tilespmem:v1+s18+$0x40 ss:$0x1], $0xffff  }
0x2d: {  	s17 =	sadd.s32 s17, s14;
	[tilespmem:v0+s19+$0x0 ss:$0x1] =	vst.idx.msk $0xffff, v4;
	v4 =	vld.idx.msk [tilespmem:v1+s18+$0x50 ss:$0x1], $0xffff  }
0x2e: {  	[tilespmem:v3+s17+$0x10 ss:$0x1] =	vst.idx.msk $0xffff, v5;
	v5 =	vld.idx.msk [tilespmem:v1+s18+$0x60 ss:$0x1], $0xffff  }
0x2f: {  	v49 =	vld.idx.msk [tilespmem:v1+s18+$0x70 ss:$0x1], $0xffff;
	[tilespmem:v3+s17+$0x20 ss:$0x1] =	vst.idx.msk $0xffff, v6  }
0x30: {  	v50 =	vld.idx.msk [tilespmem:v1+s18+$0x100 ss:$0x1], $0xffff;
	[tilespmem:v3+s17+$0x30 ss:$0x1] =	vst.idx.msk $0xffff, v7  }
0x31: {  	v51 =	vld.idx.msk [tilespmem:v1+s18+$0x110 ss:$0x1], $0xffff;
	[tilespmem:v3+s17+$0x40 ss:$0x1] =	vst.idx.msk $0xffff, v8  }
0x32: {  	[tilespmem:v3+s17+$0x50 ss:$0x1] =	vst.idx.msk $0xffff, v4;
	v4 =	vld.idx.msk [tilespmem:v1+s18+$0x120 ss:$0x1], $0xffff  }
0x33: {  	[tilespmem:v3+s17+$0x60 ss:$0x1] =	vst.idx.msk $0xffff, v5;
	v5 =	vld.idx.msk [tilespmem:v1+s18+$0x130 ss:$0x1], $0xffff  }
0x34: {  	v52 =	vld.idx.msk [tilespmem:v1+s18+$0x140 ss:$0x1], $0xffff;
	[tilespmem:v3+s17+$0x70 ss:$0x1] =	vst.idx.msk $0xffff, v49  }
0x35: {  	v53 =	vld.idx.msk [tilespmem:v1+s18+$0x150 ss:$0x1], $0xffff;
	[tilespmem:v0+s19+$0x400 ss:$0x1] =	vst.idx.msk $0xffff, v50  }
0x36: {  	v54 =	vld.idx.msk [tilespmem:v1+s18+$0x160 ss:$0x1], $0xffff;
	[tilespmem:v3+s17+$0x410 ss:$0x1] =	vst.idx.msk $0xffff, v51  }
0x37: {  	[tilespmem:v3+s17+$0x420 ss:$0x1] =	vst.idx.msk $0xffff, v4;
	v4 =	vld.idx.msk [tilespmem:v1+s18+$0x170 ss:$0x1], $0xffff  }
0x38: {  	[tilespmem:v3+s17+$0x430 ss:$0x1] =	vst.idx.msk $0xffff, v5;
	v5 =	vld.idx.msk [tilespmem:v1+s18+$0x200 ss:$0x1], $0xffff  }
0x39: {  	v55 =	vld.idx.msk [tilespmem:v1+s18+$0x210 ss:$0x1], $0xffff;
	[tilespmem:v3+s17+$0x440 ss:$0x1] =	vst.idx.msk $0xffff, v52  }
0x3a: {  	v56 =	vld.idx.msk [tilespmem:v1+s18+$0x220 ss:$0x1], $0xffff;
	[tilespmem:v3+s17+$0x450 ss:$0x1] =	vst.idx.msk $0xffff, v53  }
0x3b: {  	v57 =	vld.idx.msk [tilespmem:v1+s18+$0x230 ss:$0x1], $0xffff;
	[tilespmem:v3+s17+$0x460 ss:$0x1] =	vst.idx.msk $0xffff, v54  }
0x3c: {  	[tilespmem:v3+s17+$0x470 ss:$0x1] =	vst.idx.msk $0xffff, v4;
	v4 =	vld.idx.msk [tilespmem:v1+s18+$0x240 ss:$0x1], $0xffff  }
0x3d: {  	[tilespmem:v0+s19+$0x800 ss:$0x1] =	vst.idx.msk $0xffff, v5;
	v5 =	vld.idx.msk [tilespmem:v1+s18+$0x250 ss:$0x1], $0xffff  }
0x3e: {  	v58 =	vld.idx.msk [tilespmem:v1+s18+$0x260 ss:$0x1], $0xffff;
	[tilespmem:v3+s17+$0x810 ss:$0x1] =	vst.idx.msk $0xffff, v55  }
0x3f: {  	v59 =	vld.idx.msk [tilespmem:v1+s18+$0x270 ss:$0x1], $0xffff;
	[tilespmem:v3+s17+$0x820 ss:$0x1] =	vst.idx.msk $0xffff, v56  }
0x40: {  	v60 =	vld.idx.msk [tilespmem:v1+s18+$0x300 ss:$0x1], $0xffff;
	[tilespmem:v3+s17+$0x830 ss:$0x1] =	vst.idx.msk $0xffff, v57  }
0x41: {  	[tilespmem:v3+s17+$0x840 ss:$0x1] =	vst.idx.msk $0xffff, v4;
	v4 =	vld.idx.msk [tilespmem:v1+s18+$0x310 ss:$0x1], $0xffff  }
0x42: {  	[tilespmem:v3+s17+$0x850 ss:$0x1] =	vst.idx.msk $0xffff, v5;
	v5 =	vld.idx.msk [tilespmem:v1+s18+$0x320 ss:$0x1], $0xffff  }
0x43: {  	v61 =	vld.idx.msk [tilespmem:v1+s18+$0x330 ss:$0x1], $0xffff;
	[tilespmem:v3+s17+$0x860 ss:$0x1] =	vst.idx.msk $0xffff, v58  }
0x44: {  	v62 =	vld.idx.msk [tilespmem:v1+s18+$0x340 ss:$0x1], $0xffff;
	[tilespmem:v3+s17+$0x870 ss:$0x1] =	vst.idx.msk $0xffff, v59  }
0x45: {  	v63 =	vld.idx.msk [tilespmem:v1+s18+$0x350 ss:$0x1], $0xffff;
	[tilespmem:v0+s19+$0xC00 ss:$0x1] =	vst.idx.msk $0xffff, v60  }
0x46: {  	[tilespmem:v3+s17+$0xC10 ss:$0x1] =	vst.idx.msk $0xffff, v4;
	v4 =	vld.idx.msk [tilespmem:v1+s18+$0x360 ss:$0x1], $0xffff  }
0x47: {  	p2 =	por p1, p1;
	[tilespmem:v3+s17+$0xC20 ss:$0x1] =	vst.idx.msk $0xffff, v5;
	v5 =	vld.idx.msk [tilespmem:v1+s18+$0x370 ss:$0x1], $0xffff  }
.Ltmp3:
0x48: {  	[tilespmem:v3+s17+$0xC30 ss:$0x1] =	vst.idx.msk $0xffff, v61;
	(pc) =	sbr.rel @p2 .LBB1_5-.Ltmp3, $4  }
0x49: {  	[tilespmem:v3+s17+$0xC40 ss:$0x1] =	vst.idx.msk $0xffff, v62  }
0x4a: {  	[tilespmem:v3+s17+$0xC50 ss:$0x1] =	vst.idx.msk $0xffff, v63  }
0x4b: {  	[tilespmem:v3+s17+$0xC60 ss:$0x1] =	vst.idx.msk $0xffff, v4  }
0x4c: {  	p1 =	por $0x0, $0x0;
	[tilespmem:v3+s17+$0xC70 ss:$0x1] =	vst.idx.msk $0xffff, v5;
	s17 =	simm.s32 $0x200  }
.Ltmp4:
0x4d: {  	(pc) =	sbr.rel @p0 .LBB1_4-.Ltmp4, $2  }
0x4e: {  	_ =	sdelay $0x2  }
0x4f: {  	s15 =	simm.s32 $0x1;
	p1 =	por $0x0, $0x0  }
0x50: {  	s12 =	sadd.s32 $0x1, s12  }
0x51: {  	p0 =	sne.s32 s12, $0x8  }
.Ltmp5:
0x52: {  	_ = 	snop;
	(pc) =	sbr.rel @p0 .LBB1_3-.Ltmp5, $1  }
0x53: {  	_ =	sdelay $0x3  }
.Ltmp6:
0x54: {  	(pc) =	sbr.rel .LBB1_9-.Ltmp6, $4  }
0x55: {  	_ = 	snop  }
0x56: {  	s9 =	sshll.u32 s9, $0xB  }
0x57: {  	s9 =	sadd.s32 s3, s9  }
0x58: {  	[hbm4b:s9+s6] =	stream.linear.scatter [tilespmem:s10], [sflag:$0x2], $0x4000, $0x38;
	[tilespmem:$0x10000] =	vst v63  }
.LBB1_10:
0x59: {  	_ =	sfence.sel $0x180000  }
0x5a: {  	s2 =	simm.s32 $0x1;
	[bflag:$0x0] =	sbarrier.arrive $0xFFFF  }
0x5b: {  	s31 =	simm.s32 $0x2;
	[sflag:s2] =	ssyncpa.u1 $0x1  }
0x5c: {  	[sflag:s31] =	ssyncpa.u1 $0x1  }
0x5d: {  	p0 =	sne.s32 s1, $0x0;
	_ =	strace $0x90000047  }
0x5e: {  	s0 =	sadd.s32 @!p0 $0x100000, s0;
	[bflag:$0x2] =	sbarrier.arrive $0xFFFF  }
0x5f: {  	[sflag:s0] =	ssyncadd.tile.s32 @!p0 $0x1;
	_ =	shalt  }
.Lfunc_end1:
_tile_overlayer_lowered:
.L_overlay_start_2:
0x60: {  	(tag) =	ssettag $0x2  }
0x61: {  	s0 =	rddreg [dreg:$0x0];
	s2 =	stileid.u32  }
0x62: {  	s1 =	rddreg [dreg:$0x1];
	p0 =	sne.s32 s2, $0x0  }
0x63: {  	s3 =	rddreg [dreg:$0x2];
	[bflag:$0x3] =	sbarrier.arrive $0xFFFF;
	s2 =	simm.s32 @!p0 $0x1C01  }
0x64: {  	[timem:s3], [sflag:s2] =	dma.local @!p0 [hbm:s0], s1  }
0x65: {  	s0 =	simm.s32 @!p0 $0x1  }
0x66: {  	_ =	swait.ge @!p0 [sflag:s0], s1  }
0x67: {  	s1 =	ssub.s32 @!p0 $0x0, s1;
	[sflag:s0] =	ssyncset.done @!p0 $0x0  }
0x68: {  	[sflag:s0] =	ssyncadd.s32 @!p0 s1  }
0x69: {  	[bflag:$0x3] =	sbarrier.arrive $0xFFFF  }
0x6a: {  	_ =	shalt  }

</sc_bundles>
